<compile_context>
chip_gen: v7x
topology: tpu7x:2x2x1
jax: 0.10.2.dev20260603
libtpu: 0.0.44.dev20260713+nightly
codegen_flags: <defaults>
</compile_context>

<pallas_src>
import functools

import jax
import jax.numpy as jnp
from jax import lax
from jax.experimental import pallas as pl
from jax.experimental.pallas import tpu as pltpu
from jax.experimental.pallas import tpu_sc as plsc

NUM_PATCHES = 576
PROJECTION_DIM = 768
BATCH = 64

NC = 2
NS = 16
NW = NC * NS
LANES = 16
COLV = PROJECTION_DIM // LANES

NBG = 4
NTG = NW // NBG
BPW = BATCH // NBG
PPW = NUM_PATCHES // NTG
CP = 24
SPB = PPW // CP
NSTEP = BPW * SPB


def _sc_add(x_hbm, pos_hbm, out_hbm, p_v, x_v, o_v, in_sem, out_sem):
    wid = lax.axis_index("s") * NC + lax.axis_index("c")
    bg = lax.div(wid, NTG)
    tg = lax.rem(wid, NTG)
    b0 = bg * BPW
    p0 = tg * PPW

    def x_slice(s):
        b = b0 + lax.div(s, SPB)
        poff = p0 + lax.rem(s, SPB) * CP
        return x_hbm.at[b, pl.ds(poff, CP)]

    def out_slice(s):
        b = b0 + lax.div(s, SPB)
        poff = p0 + lax.rem(s, SPB) * CP
        return out_hbm.at[b, pl.ds(poff, CP)]

    pltpu.async_copy(x_slice(0), x_v.at[0], in_sem.at[0])
    pltpu.sync_copy(pos_hbm.at[pl.ds(p0, PPW)], p_v)

    def step_body(s, _):
        slot = lax.rem(s, 2)
        nslot = lax.rem(s + 1, 2)

        @pl.when(s + 1 < NSTEP)
        def _start_next_in():
            pltpu.async_copy(x_slice(s + 1), x_v.at[nslot], in_sem.at[nslot])

        pltpu.make_async_copy(x_slice(s), x_v.at[slot], in_sem.at[slot]).wait()

        @pl.when(s >= 2)
        def _drain_prev_out():
            pltpu.make_async_copy(o_v.at[slot], out_slice(s - 2),
                                  out_sem.at[slot]).wait()

        prow = lax.rem(s, SPB) * CP

        @plsc.parallel_loop(0, CP)
        def _row(r):
            for k in range(COLV):
                sl = pl.ds(k * LANES, LANES)
                o_v[slot, r, sl] = x_v[slot, r, sl] + p_v[prow + r, sl]

        pltpu.async_copy(o_v.at[slot], out_slice(s), out_sem.at[slot])
        return ()

    lax.fori_loop(0, NSTEP, step_body, ())

    for s in (NSTEP - 2, NSTEP - 1):
        slot = s % 2
        pltpu.make_async_copy(o_v.at[slot], out_slice(s),
                              out_sem.at[slot]).wait()


def kernel(x, pos_table):
    mesh = plsc.VectorSubcoreMesh(core_axis_name="c", subcore_axis_name="s")
    sc_run = functools.partial(
        pl.kernel,
        out_type=jax.ShapeDtypeStruct(x.shape, jnp.float32),
        mesh=mesh,
        scratch_types=[
            pltpu.VMEM((PPW, PROJECTION_DIM), jnp.float32),
            pltpu.VMEM((2, CP, PROJECTION_DIM), jnp.float32),
            pltpu.VMEM((2, CP, PROJECTION_DIM), jnp.float32),
            pltpu.SemaphoreType.DMA((2,)),
            pltpu.SemaphoreType.DMA((2,)),
        ],
    )(_sc_add)
    return sc_run(x, pos_table)

# --- scband reference (transcript-rebuilt; emitter-appended) ---
"""Pipeline reference for scband-add-position-emb-15504831939234 (READ-ONLY COPY).

The authoritative reference and input builder live on the scoring server;
editing this copy changes nothing except your own understanding.
"""

import jax, jax.numpy as jnp
import numpy as np

NUM_PATCHES = 576
PROJECTION_DIM = 768
BATCH = 64

def setup_inputs(seed: int = 0) -> dict:
    key = jax.random.key(seed)
    k1, k2 = jax.random.split(key)
    x = jax.random.normal(k1, (BATCH, NUM_PATCHES, PROJECTION_DIM), dtype=jnp.float32)
    # Keras Embedding default initializer is uniform in [-0.05, 0.05]
    pos_table = jax.random.uniform(k2, (NUM_PATCHES, PROJECTION_DIM), dtype=jnp.float32, minval=-0.05, maxval=0.05)
    return {"x": x, "pos_table": pos_table}

def reference(x, pos_table):
    positions = jnp.arange(NUM_PATCHES)
    pos = jnp.take(pos_table, positions, axis=0)  # embedding lookup [num_patches, dim]
    return x + pos[None, :, :]

if __name__ == "__main__":
    import jax
    _d = setup_inputs()
    print(jax.jit(kernel)(*tuple(_d.values())))

</pallas_src>

<mosaic_0001>
#map = affine_map<(d0, d1) -> (0, 0, 0)>
#map1 = affine_map<(d0, d1) -> (0, 0)>
module attributes {stable_mosaic.version = 14 : i64} {
  func.func @_sc_add(%arg0: i32, %arg1: i32, %arg2: memref<64x576x768xf32, #tpu.memory_space<hbm>>, %arg3: memref<576x768xf32, #tpu.memory_space<hbm>>, %arg4: memref<64x576x768xf32, #tpu.memory_space<hbm>>, %arg5: memref<72x768xf32, #tpu.memory_space<vmem>>, %arg6: memref<2x24x768xf32, #tpu.memory_space<vmem>>, %arg7: memref<2x24x768xf32, #tpu.memory_space<vmem>>, %arg8: memref<2x!tpu.dma_semaphore, #tpu.memory_space<semaphore_mem>>, %arg9: memref<2x!tpu.dma_semaphore, #tpu.memory_space<semaphore_mem>>) attributes {dimension_semantics = [#tpu.dimension_semantics<core_parallel>, #tpu.dimension_semantics<subcore_parallel>], iteration_bounds = array<i64: 2, 16>, scalar_prefetch = 0 : i64, scratch_operands = 5 : i64, tpu.core_type = #tpu.core_type<sc_vector_subcore>, window_params = [{transform_indices = #map}, {transform_indices = #map1}, {transform_indices = #map}]} {
    %mul3A = arith.constant 2 : i32
    %mul3A_0 = arith.muli %arg1, %mul3A : i32
    %add3A = arith.addi %mul3A_0, %arg0 : i32
    %div3A = arith.constant 8 : i32
    %div3A_1 = arith.divsi %add3A, %div3A : i32
    %rem3A = arith.constant 8 : i32
    %rem3A_2 = arith.remsi %add3A, %rem3A : i32
    %mul3A_3 = arith.constant 16 : i32
    %mul3A_4 = arith.muli %div3A_1, %mul3A_3 : i32
    %mul3A_5 = arith.constant 72 : i32
    %mul3A_6 = arith.muli %rem3A_2, %mul3A_5 : i32
    %div3A_7 = arith.constant 0 : i32
    %div3A_8 = arith.constant 3 : i32
    %div3A_9 = arith.divsi %div3A_7, %div3A_8 : i32
    %add3A_10 = arith.addi %mul3A_4, %div3A_9 : i32
    %rem3A_11 = arith.constant 0 : i32
    %rem3A_12 = arith.constant 3 : i32
    %rem3A_13 = arith.remsi %rem3A_11, %rem3A_12 : i32
    %mul3A_14 = arith.constant 24 : i32
    %mul3A_15 = arith.muli %rem3A_13, %mul3A_14 : i32
    %add3A_16 = arith.addi %mul3A_6, %mul3A_15 : i32
    %dma_start3A = arith.constant 0 : i32
    %dma_start3A_17 = arith.constant 0 : i32
    %dma_start3A_18 = arith.constant 0 : i32
    %dma_start3A_19 = arith.constant 0 : i32
    %dma_start3A_20 = tpu.memref_slice %arg6[%dma_start3A, %dma_start3A_18, %dma_start3A_19] : memref<2x24x768xf32, #tpu.memory_space<vmem>> -> memref<1x24x768xf32, #tpu.memory_space<vmem>>
    %dma_start3A_21 = tpu.memref_squeeze %dma_start3A_20 : memref<1x24x768xf32, #tpu.memory_space<vmem>> -> memref<24x768xf32, #tpu.memory_space<vmem>>
    %dma_start3A_22 = arith.constant 0 : i32
    %dma_start3A_23 = tpu.memref_slice %arg2[%add3A_10, %add3A_16, %dma_start3A_22] : memref<64x576x768xf32, #tpu.memory_space<hbm>> -> memref<1x24x768xf32, #tpu.memory_space<hbm>>
    %dma_start3A_24 = tpu.memref_squeeze %dma_start3A_23 : memref<1x24x768xf32, #tpu.memory_space<hbm>> -> memref<24x768xf32, #tpu.memory_space<hbm>>
    %dma_start3A_25 = tpu.memref_slice %arg8[%dma_start3A_17] : memref<2x!tpu.dma_semaphore, #tpu.memory_space<semaphore_mem>> -> memref<1x!tpu.dma_semaphore, #tpu.memory_space<semaphore_mem>>
    %dma_start3A_26 = tpu.memref_squeeze %dma_start3A_25 : memref<1x!tpu.dma_semaphore, #tpu.memory_space<semaphore_mem>> -> memref<!tpu.dma_semaphore, #tpu.memory_space<semaphore_mem>>
    %dma_start3A_27 = arith.constant 0 : i32
    %dma_start3A_28 = arith.constant 0 : i32
    %dma_start3A_29 = tpu.memref_slice %arg6[%dma_start3A, %dma_start3A_27, %dma_start3A_28] : memref<2x24x768xf32, #tpu.memory_space<vmem>> -> memref<1x24x768xf32, #tpu.memory_space<vmem>>
    %dma_start3A_30 = tpu.memref_squeeze %dma_start3A_29 : memref<1x24x768xf32, #tpu.memory_space<vmem>> -> memref<24x768xf32, #tpu.memory_space<vmem>>
    %dma_start3A_31 = arith.constant 0 : i32
    %dma_start3A_32 = tpu.memref_slice %arg2[%add3A_10, %add3A_16, %dma_start3A_31] : memref<64x576x768xf32, #tpu.memory_space<hbm>> -> memref<1x24x768xf32, #tpu.memory_space<hbm>>
    %dma_start3A_33 = tpu.memref_squeeze %dma_start3A_32 : memref<1x24x768xf32, #tpu.memory_space<hbm>> -> memref<24x768xf32, #tpu.memory_space<hbm>>
    tpu.enqueue_dma source(%dma_start3A_33 : memref<24x768xf32, #tpu.memory_space<hbm>>) target(%dma_start3A_30 : memref<24x768xf32, #tpu.memory_space<vmem>>) target_semaphore(%dma_start3A_26 : memref<!tpu.dma_semaphore, #tpu.memory_space<semaphore_mem>>)
    "tpu.region"() ({
      %run_scoped3A = tpu.sem_alloc : memref<!tpu.dma_semaphore, #tpu.memory_space<semaphore_mem>>
      %dma_start3A_93 = arith.constant 0 : i32
      %dma_start3A_94 = tpu.memref_slice %arg3[%mul3A_6, %dma_start3A_93] : memref<576x768xf32, #tpu.memory_space<hbm>> -> memref<72x768xf32, #tpu.memory_space<hbm>>
      %dma_start3A_95 = arith.constant 0 : i32
      %dma_start3A_96 = tpu.memref_slice %arg3[%mul3A_6, %dma_start3A_95] : memref<576x768xf32, #tpu.memory_space<hbm>> -> memref<72x768xf32, #tpu.memory_space<hbm>>
      tpu.enqueue_dma source(%dma_start3A_96 : memref<72x768xf32, #tpu.memory_space<hbm>>) target(%arg5 : memref<72x768xf32, #tpu.memory_space<vmem>>) target_semaphore(%run_scoped3A : memref<!tpu.dma_semaphore, #tpu.memory_space<semaphore_mem>>)
      %dma_wait3A_97 = arith.constant 0 : i32
      %dma_wait3A_98 = tpu.memref_slice %arg3[%mul3A_6, %dma_wait3A_97] : memref<576x768xf32, #tpu.memory_space<hbm>> -> memref<72x768xf32, #tpu.memory_space<hbm>>
      %dma_wait3A_99 = arith.constant 0 : i32
      %dma_wait3A_100 = tpu.memref_slice %arg3[%mul3A_6, %dma_wait3A_99] : memref<576x768xf32, #tpu.memory_space<hbm>> -> memref<72x768xf32, #tpu.memory_space<hbm>>
      tpu.wait_dma2 semaphore(%run_scoped3A : memref<!tpu.dma_semaphore, #tpu.memory_space<semaphore_mem>>) src(%dma_wait3A_100 : memref<72x768xf32, #tpu.memory_space<hbm>>) dst(%arg5 : memref<72x768xf32, #tpu.memory_space<vmem>>)
      tpu.yield
    }) : () -> ()
    %scan3A = arith.constant 0 : i32
    %scan3A_34 = arith.constant 48 : i32
    %scan3A_35 = arith.addi %scan3A, %scan3A_34 : i32
    %scan3A_36 = arith.constant 1 : i32
    scf.for %scan3A_93 = %scan3A to %scan3A_35 step %scan3A_36  : i32 {
      %rem3A_94 = arith.constant 2 : i32
      %rem3A_95 = arith.remsi %scan3A_93, %rem3A_94 : i32
      %add3A_96 = arith.constant 1 : i32
      %add3A_97 = arith.addi %scan3A_93, %add3A_96 : i32
      %rem3A_98 = arith.constant 2 : i32
      %rem3A_99 = arith.remsi %add3A_97, %rem3A_98 : i32
      %add3A_100 = arith.constant 1 : i32
      %add3A_101 = arith.addi %scan3A_93, %add3A_100 : i32
      %lt3A = arith.constant 48 : i32
      %lt3A_102 = arith.cmpi slt, %add3A_101, %lt3A : i32
      %convert_element_type3A = arith.extui %lt3A_102 : i1 to i32
      %cond3A = arith.constant 0 : i32
      %cond3A_103 = arith.cmpi ne, %convert_element_type3A, %cond3A : i32
      scf.if %cond3A_103 {
        %add3A_162 = arith.constant 1 : i32
        %add3A_163 = arith.addi %scan3A_93, %add3A_162 : i32
        %div3A_164 = arith.constant 3 : i32
        %div3A_165 = arith.divsi %add3A_163, %div3A_164 : i32
        %add3A_166 = arith.addi %mul3A_4, %div3A_165 : i32
        %rem3A_167 = arith.constant 3 : i32
        %rem3A_168 = arith.remsi %add3A_163, %rem3A_167 : i32
        %mul3A_169 = arith.constant 24 : i32
        %mul3A_170 = arith.muli %rem3A_168, %mul3A_169 : i32
        %add3A_171 = arith.addi %mul3A_6, %mul3A_170 : i32
        %dma_start3A_172 = arith.constant 0 : i32
        %dma_start3A_173 = arith.constant 0 : i32
        %dma_start3A_174 = tpu.memref_slice %arg6[%rem3A_99, %dma_start3A_172, %dma_start3A_173] : memref<2x24x768xf32, #tpu.memory_space<vmem>> -> memref<1x24x768xf32, #tpu.memory_space<vmem>>
        %dma_start3A_175 = tpu.memref_squeeze %dma_start3A_174 : memref<1x24x768xf32, #tpu.memory_space<vmem>> -> memref<24x768xf32, #tpu.memory_space<vmem>>
        %dma_start3A_176 = arith.constant 0 : i32
        %dma_start3A_177 = tpu.memref_slice %arg2[%add3A_166, %add3A_171, %dma_start3A_176] : memref<64x576x768xf32, #tpu.memory_space<hbm>> -> memref<1x24x768xf32, #tpu.memory_space<hbm>>
        %dma_start3A_178 = tpu.memref_squeeze %dma_start3A_177 : memref<1x24x768xf32, #tpu.memory_space<hbm>> -> memref<24x768xf32, #tpu.memory_space<hbm>>
        %dma_start3A_179 = tpu.memref_slice %arg8[%rem3A_99] : memref<2x!tpu.dma_semaphore, #tpu.memory_space<semaphore_mem>> -> memref<1x!tpu.dma_semaphore, #tpu.memory_space<semaphore_mem>>
        %dma_start3A_180 = tpu.memref_squeeze %dma_start3A_179 : memref<1x!tpu.dma_semaphore, #tpu.memory_space<semaphore_mem>> -> memref<!tpu.dma_semaphore, #tpu.memory_space<semaphore_mem>>
        %dma_start3A_181 = arith.constant 0 : i32
        %dma_start3A_182 = arith.constant 0 : i32
        %dma_start3A_183 = tpu.memref_slice %arg6[%rem3A_99, %dma_start3A_181, %dma_start3A_182] : memref<2x24x768xf32, #tpu.memory_space<vmem>> -> memref<1x24x768xf32, #tpu.memory_space<vmem>>
        %dma_start3A_184 = tpu.memref_squeeze %dma_start3A_183 : memref<1x24x768xf32, #tpu.memory_space<vmem>> -> memref<24x768xf32, #tpu.memory_space<vmem>>
        %dma_start3A_185 = arith.constant 0 : i32
        %dma_start3A_186 = tpu.memref_slice %arg2[%add3A_166, %add3A_171, %dma_start3A_185] : memref<64x576x768xf32, #tpu.memory_space<hbm>> -> memref<1x24x768xf32, #tpu.memory_space<hbm>>
        %dma_start3A_187 = tpu.memref_squeeze %dma_start3A_186 : memref<1x24x768xf32, #tpu.memory_space<hbm>> -> memref<24x768xf32, #tpu.memory_space<hbm>>
        tpu.enqueue_dma source(%dma_start3A_187 : memref<24x768xf32, #tpu.memory_space<hbm>>) target(%dma_start3A_184 : memref<24x768xf32, #tpu.memory_space<vmem>>) target_semaphore(%dma_start3A_180 : memref<!tpu.dma_semaphore, #tpu.memory_space<semaphore_mem>>)
      } else {
      }
      %div3A_104 = arith.constant 3 : i32
      %div3A_105 = arith.divsi %scan3A_93, %div3A_104 : i32
      %add3A_106 = arith.addi %mul3A_4, %div3A_105 : i32
      %rem3A_107 = arith.constant 3 : i32
      %rem3A_108 = arith.remsi %scan3A_93, %rem3A_107 : i32
      %mul3A_109 = arith.constant 24 : i32
      %mul3A_110 = arith.muli %rem3A_108, %mul3A_109 : i32
      %add3A_111 = arith.addi %mul3A_6, %mul3A_110 : i32
      %dma_wait3A_112 = arith.constant 0 : i32
      %dma_wait3A_113 = arith.constant 0 : i32
      %dma_wait3A_114 = tpu.memref_slice %arg6[%rem3A_95, %dma_wait3A_112, %dma_wait3A_113] : memref<2x24x768xf32, #tpu.memory_space<vmem>> -> memref<1x24x768xf32, #tpu.memory_space<vmem>>
      %dma_wait3A_115 = tpu.memref_squeeze %dma_wait3A_114 : memref<1x24x768xf32, #tpu.memory_space<vmem>> -> memref<24x768xf32, #tpu.memory_space<vmem>>
      %dma_wait3A_116 = arith.constant 0 : i32
      %dma_wait3A_117 = tpu.memref_slice %arg2[%add3A_106, %add3A_111, %dma_wait3A_116] : memref<64x576x768xf32, #tpu.memory_space<hbm>> -> memref<1x24x768xf32, #tpu.memory_space<hbm>>
      %dma_wait3A_118 = tpu.memref_squeeze %dma_wait3A_117 : memref<1x24x768xf32, #tpu.memory_space<hbm>> -> memref<24x768xf32, #tpu.memory_space<hbm>>
      %dma_wait3A_119 = tpu.memref_slice %arg8[%rem3A_95] : memref<2x!tpu.dma_semaphore, #tpu.memory_space<semaphore_mem>> -> memref<1x!tpu.dma_semaphore, #tpu.memory_space<semaphore_mem>>
      %dma_wait3A_120 = tpu.memref_squeeze %dma_wait3A_119 : memref<1x!tpu.dma_semaphore, #tpu.memory_space<semaphore_mem>> -> memref<!tpu.dma_semaphore, #tpu.memory_space<semaphore_mem>>
      %dma_wait3A_121 = arith.constant 0 : i32
      %dma_wait3A_122 = arith.constant 0 : i32
      %dma_wait3A_123 = tpu.memref_slice %arg6[%rem3A_95, %dma_wait3A_121, %dma_wait3A_122] : memref<2x24x768xf32, #tpu.memory_space<vmem>> -> memref<1x24x768xf32, #tpu.memory_space<vmem>>
      %dma_wait3A_124 = tpu.memref_squeeze %dma_wait3A_123 : memref<1x24x768xf32, #tpu.memory_space<vmem>> -> memref<24x768xf32, #tpu.memory_space<vmem>>
      %dma_wait3A_125 = arith.constant 0 : i32
      %dma_wait3A_126 = tpu.memref_slice %arg2[%add3A_106, %add3A_111, %dma_wait3A_125] : memref<64x576x768xf32, #tpu.memory_space<hbm>> -> memref<1x24x768xf32, #tpu.memory_space<hbm>>
      %dma_wait3A_127 = tpu.memref_squeeze %dma_wait3A_126 : memref<1x24x768xf32, #tpu.memory_space<hbm>> -> memref<24x768xf32, #tpu.memory_space<hbm>>
      tpu.wait_dma2 semaphore(%dma_wait3A_120 : memref<!tpu.dma_semaphore, #tpu.memory_space<semaphore_mem>>) src(%dma_wait3A_127 : memref<24x768xf32, #tpu.memory_space<hbm>>) dst(%dma_wait3A_124 : memref<24x768xf32, #tpu.memory_space<vmem>>)
      %ge3A = arith.constant 2 : i32
      %ge3A_128 = arith.cmpi sge, %scan3A_93, %ge3A : i32
      %convert_element_type3A_129 = arith.extui %ge3A_128 : i1 to i32
      %cond3A_130 = arith.constant 0 : i32
      %cond3A_131 = arith.cmpi ne, %convert_element_type3A_129, %cond3A_130 : i32
      scf.if %cond3A_131 {
        %sub3A = arith.constant 2 : i32
        %sub3A_162 = arith.subi %scan3A_93, %sub3A : i32
        %div3A_163 = arith.constant 3 : i32
        %div3A_164 = arith.divsi %sub3A_162, %div3A_163 : i32
        %add3A_165 = arith.addi %mul3A_4, %div3A_164 : i32
        %rem3A_166 = arith.constant 3 : i32
        %rem3A_167 = arith.remsi %sub3A_162, %rem3A_166 : i32
        %mul3A_168 = arith.constant 24 : i32
        %mul3A_169 = arith.muli %rem3A_167, %mul3A_168 : i32
        %add3A_170 = arith.addi %mul3A_6, %mul3A_169 : i32
        %dma_wait3A_171 = arith.constant 0 : i32
        %dma_wait3A_172 = arith.constant 0 : i32
        %dma_wait3A_173 = tpu.memref_slice %arg7[%rem3A_95, %dma_wait3A_171, %dma_wait3A_172] : memref<2x24x768xf32, #tpu.memory_space<vmem>> -> memref<1x24x768xf32, #tpu.memory_space<vmem>>
        %dma_wait3A_174 = tpu.memref_squeeze %dma_wait3A_173 : memref<1x24x768xf32, #tpu.memory_space<vmem>> -> memref<24x768xf32, #tpu.memory_space<vmem>>
        %dma_wait3A_175 = arith.constant 0 : i32
        %dma_wait3A_176 = tpu.memref_slice %arg4[%add3A_165, %add3A_170, %dma_wait3A_175] : memref<64x576x768xf32, #tpu.memory_space<hbm>> -> memref<1x24x768xf32, #tpu.memory_space<hbm>>
        %dma_wait3A_177 = tpu.memref_squeeze %dma_wait3A_176 : memref<1x24x768xf32, #tpu.memory_space<hbm>> -> memref<24x768xf32, #tpu.memory_space<hbm>>
        %dma_wait3A_178 = tpu.memref_slice %arg9[%rem3A_95] : memref<2x!tpu.dma_semaphore, #tpu.memory_space<semaphore_mem>> -> memref<1x!tpu.dma_semaphore, #tpu.memory_space<semaphore_mem>>
        %dma_wait3A_179 = tpu.memref_squeeze %dma_wait3A_178 : memref<1x!tpu.dma_semaphore, #tpu.memory_space<semaphore_mem>> -> memref<!tpu.dma_semaphore, #tpu.memory_space<semaphore_mem>>
        %dma_wait3A_180 = arith.constant 0 : i32
        %dma_wait3A_181 = tpu.memref_slice %arg4[%add3A_165, %add3A_170, %dma_wait3A_180] : memref<64x576x768xf32, #tpu.memory_space<hbm>> -> memref<1x24x768xf32, #tpu.memory_space<hbm>>
        %dma_wait3A_182 = tpu.memref_squeeze %dma_wait3A_181 : memref<1x24x768xf32, #tpu.memory_space<hbm>> -> memref<24x768xf32, #tpu.memory_space<hbm>>
        %dma_wait3A_183 = arith.constant 0 : i32
        %dma_wait3A_184 = arith.constant 0 : i32
        %dma_wait3A_185 = tpu.memref_slice %arg7[%rem3A_95, %dma_wait3A_183, %dma_wait3A_184] : memref<2x24x768xf32, #tpu.memory_space<vmem>> -> memref<1x24x768xf32, #tpu.memory_space<vmem>>
        %dma_wait3A_186 = tpu.memref_squeeze %dma_wait3A_185 : memref<1x24x768xf32, #tpu.memory_space<vmem>> -> memref<24x768xf32, #tpu.memory_space<vmem>>
        tpu.wait_dma2 semaphore(%dma_wait3A_179 : memref<!tpu.dma_semaphore, #tpu.memory_space<semaphore_mem>>) src(%dma_wait3A_186 : memref<24x768xf32, #tpu.memory_space<vmem>>) dst(%dma_wait3A_182 : memref<24x768xf32, #tpu.memory_space<hbm>>)
      } else {
      }
      %rem3A_132 = arith.constant 3 : i32
      %rem3A_133 = arith.remsi %scan3A_93, %rem3A_132 : i32
      %mul3A_134 = arith.constant 24 : i32
      %mul3A_135 = arith.muli %rem3A_133, %mul3A_134 : i32
      %parallel_loop3A = arith.constant 0 : i32
      %parallel_loop3A_136 = arith.constant 24 : i32
      %parallel_loop3A_137 = arith.constant 1 : i32
      scf.for %parallel_loop3A_162 = %parallel_loop3A to %parallel_loop3A_136 step %parallel_loop3A_137  : i32 {
        %parallel_loop3A_163 = arith.index_cast %rem3A_95 : i32 to index
        %parallel_loop3A_164 = arith.index_cast %parallel_loop3A_162 : i32 to index
        %parallel_loop3A_165 = arith.constant 0 : index
        %parallel_loop3A_166 = tpu.vector_load %arg6[%parallel_loop3A_163, %parallel_loop3A_164, %parallel_loop3A_165] {strides = array<i32>} : memref<2x24x768xf32, #tpu.memory_space<vmem>>, vector<1x1x16xf32>,
        %parallel_loop3A_167 = vector.shape_cast %parallel_loop3A_166 : vector<1x1x16xf32> to vector<16xf32>
        %parallel_loop3A_168 = arith.addi %mul3A_135, %parallel_loop3A_162 : i32
        %parallel_loop3A_169 = arith.index_cast %parallel_loop3A_168 : i32 to index
        %parallel_loop3A_170 = arith.constant 0 : index
        %parallel_loop3A_171 = tpu.vector_load %arg5[%parallel_loop3A_169, %parallel_loop3A_170] {strides = array<i32>} : memref<72x768xf32, #tpu.memory_space<vmem>>, vector<1x16xf32>,
        %parallel_loop3A_172 = vector.shape_cast %parallel_loop3A_171 : vector<1x16xf32> to vector<16xf32>
        %parallel_loop3A_173 = arith.addf %parallel_loop3A_167, %parallel_loop3A_172 : vector<16xf32>
        %parallel_loop3A_174 = arith.index_cast %rem3A_95 : i32 to index
        %parallel_loop3A_175 = arith.index_cast %parallel_loop3A_162 : i32 to index
        %parallel_loop3A_176 = arith.constant 0 : index
        %parallel_loop3A_177 = tpu.vector_load %arg7[%parallel_loop3A_174, %parallel_loop3A_175, %parallel_loop3A_176] {strides = array<i32>} : memref<2x24x768xf32, #tpu.memory_space<vmem>>, vector<1x1x16xf32>,
        %parallel_loop3A_178 = vector.shape_cast %parallel_loop3A_177 : vector<1x1x16xf32> to vector<16xf32>
        %parallel_loop3A_179 = vector.shape_cast %parallel_loop3A_173 : vector<16xf32> to vector<1x1x16xf32>
        tpu.vector_store %arg7[%parallel_loop3A_174, %parallel_loop3A_175, %parallel_loop3A_176], %parallel_loop3A_179 {strides = array<i32>} : memref<2x24x768xf32, #tpu.memory_space<vmem>>, vector<1x1x16xf32>,
        %parallel_loop3A_180 = arith.index_cast %rem3A_95 : i32 to index
        %parallel_loop3A_181 = arith.index_cast %parallel_loop3A_162 : i32 to index
        %parallel_loop3A_182 = arith.constant 16 : index
        %parallel_loop3A_183 = tpu.vector_load %arg6[%parallel_loop3A_180, %parallel_loop3A_181, %parallel_loop3A_182] {strides = array<i32>} : memref<2x24x768xf32, #tpu.memory_space<vmem>>, vector<1x1x16xf32>,
        %parallel_loop3A_184 = vector.shape_cast %parallel_loop3A_183 : vector<1x1x16xf32> to vector<16xf32>
        %parallel_loop3A_185 = arith.addi %mul3A_135, %parallel_loop3A_162 : i32
        %parallel_loop3A_186 = arith.index_cast %parallel_loop3A_185 : i32 to index
        %parallel_loop3A_187 = arith.constant 16 : index
        %parallel_loop3A_188 = tpu.vector_load %arg5[%parallel_loop3A_186, %parallel_loop3A_187] {strides = array<i32>} : memref<72x768xf32, #tpu.memory_space<vmem>>, vector<1x16xf32>,
        %parallel_loop3A_189 = vector.shape_cast %parallel_loop3A_188 : vector<1x16xf32> to vector<16xf32>
        %parallel_loop3A_190 = arith.addf %parallel_loop3A_184, %parallel_loop3A_189 : vector<16xf32>
        %parallel_loop3A_191 = arith.index_cast %rem3A_95 : i32 to index
        %parallel_loop3A_192 = arith.index_cast %parallel_loop3A_162 : i32 to index
        %parallel_loop3A_193 = arith.constant 16 : index
        %parallel_loop3A_194 = tpu.vector_load %arg7[%parallel_loop3A_191, %parallel_loop3A_192, %parallel_loop3A_193] {strides = array<i32>} : memref<2x24x768xf32, #tpu.memory_space<vmem>>, vector<1x1x16xf32>,
        %parallel_loop3A_195 = vector.shape_cast %parallel_loop3A_194 : vector<1x1x16xf32> to vector<16xf32>
        %parallel_loop3A_196 = vector.shape_cast %parallel_loop3A_190 : vector<16xf32> to vector<1x1x16xf32>
        tpu.vector_store %arg7[%parallel_loop3A_191, %parallel_loop3A_192, %parallel_loop3A_193], %parallel_loop3A_196 {strides = array<i32>} : memref<2x24x768xf32, #tpu.memory_space<vmem>>, vector<1x1x16xf32>,
        %parallel_loop3A_197 = arith.index_cast %rem3A_95 : i32 to index
        %parallel_loop3A_198 = arith.index_cast %parallel_loop3A_162 : i32 to index
        %parallel_loop3A_199 = arith.constant 32 : index
        %parallel_loop3A_200 = tpu.vector_load %arg6[%parallel_loop3A_197, %parallel_loop3A_198, %parallel_loop3A_199] {strides = array<i32>} : memref<2x24x768xf32, #tpu.memory_space<vmem>>, vector<1x1x16xf32>,
        %parallel_loop3A_201 = vector.shape_cast %parallel_loop3A_200 : vector<1x1x16xf32> to vector<16xf32>
        %parallel_loop3A_202 = arith.addi %mul3A_135, %parallel_loop3A_162 : i32
        %parallel_loop3A_203 = arith.index_cast %parallel_loop3A_202 : i32 to index
        %parallel_loop3A_204 = arith.constant 32 : index
        %parallel_loop3A_205 = tpu.vector_load %arg5[%parallel_loop3A_203, %parallel_loop3A_204] {strides = array<i32>} : memref<72x768xf32, #tpu.memory_space<vmem>>, vector<1x16xf32>,
        %parallel_loop3A_206 = vector.shape_cast %parallel_loop3A_205 : vector<1x16xf32> to vector<16xf32>
        %parallel_loop3A_207 = arith.addf %parallel_loop3A_201, %parallel_loop3A_206 : vector<16xf32>
        %parallel_loop3A_208 = arith.index_cast %rem3A_95 : i32 to index
        %parallel_loop3A_209 = arith.index_cast %parallel_loop3A_162 : i32 to index
        %parallel_loop3A_210 = arith.constant 32 : index
        %parallel_loop3A_211 = tpu.vector_load %arg7[%parallel_loop3A_208, %parallel_loop3A_209, %parallel_loop3A_210] {strides = array<i32>} : memref<2x24x768xf32, #tpu.memory_space<vmem>>, vector<1x1x16xf32>,
        %parallel_loop3A_212 = vector.shape_cast %parallel_loop3A_211 : vector<1x1x16xf32> to vector<16xf32>
        %parallel_loop3A_213 = vector.shape_cast %parallel_loop3A_207 : vector<16xf32> to vector<1x1x16xf32>
        tpu.vector_store %arg7[%parallel_loop3A_208, %parallel_loop3A_209, %parallel_loop3A_210], %parallel_loop3A_213 {strides = array<i32>} : memref<2x24x768xf32, #tpu.memory_space<vmem>>, vector<1x1x16xf32>,
        %parallel_loop3A_214 = arith.index_cast %rem3A_95 : i32 to index
        %parallel_loop3A_215 = arith.index_cast %parallel_loop3A_162 : i32 to index
        %parallel_loop3A_216 = arith.constant 48 : index
        %parallel_loop3A_217 = tpu.vector_load %arg6[%parallel_loop3A_214, %parallel_loop3A_215, %parallel_loop3A_216] {strides = array<i32>} : memref<2x24x768xf32, #tpu.memory_space<vmem>>, vector<1x1x16xf32>,
        %parallel_loop3A_218 = vector.shape_cast %parallel_loop3A_217 : vector<1x1x16xf32> to vector<16xf32>
        %parallel_loop3A_219 = arith.addi %mul3A_135, %parallel_loop3A_162 : i32
        %parallel_loop3A_220 = arith.index_cast %parallel_loop3A_219 : i32 to index
        %parallel_loop3A_221 = arith.constant 48 : index
        %parallel_loop3A_222 = tpu.vector_load %arg5[%parallel_loop3A_220, %parallel_loop3A_221] {strides = array<i32>} : memref<72x768xf32, #tpu.memory_space<vmem>>, vector<1x16xf32>,
        %parallel_loop3A_223 = vector.shape_cast %parallel_loop3A_222 : vector<1x16xf32> to vector<16xf32>
        %parallel_loop3A_224 = arith.addf %parallel_loop3A_218, %parallel_loop3A_223 : vector<16xf32>
        %parallel_loop3A_225 = arith.index_cast %rem3A_95 : i32 to index
        %parallel_loop3A_226 = arith.index_cast %parallel_loop3A_162 : i32 to index
        %parallel_loop3A_227 = arith.constant 48 : index
        %parallel_loop3A_228 = tpu.vector_load %arg7[%parallel_loop3A_225, %parallel_loop3A_226, %parallel_loop3A_227] {strides = array<i32>} : memref<2x24x768xf32, #tpu.memory_space<vmem>>, vector<1x1x16xf32>,
        %parallel_loop3A_229 = vector.shape_cast %parallel_loop3A_228 : vector<1x1x16xf32> to vector<16xf32>
        %parallel_loop3A_230 = vector.shape_cast %parallel_loop3A_224 : vector<16xf32> to vector<1x1x16xf32>
        tpu.vector_store %arg7[%parallel_loop3A_225, %parallel_loop3A_226, %parallel_loop3A_227], %parallel_loop3A_230 {strides = array<i32>} : memref<2x24x768xf32, #tpu.memory_space<vmem>>, vector<1x1x16xf32>,
        %parallel_loop3A_231 = arith.index_cast %rem3A_95 : i32 to index
        %parallel_loop3A_232 = arith.index_cast %parallel_loop3A_162 : i32 to index
        %parallel_loop3A_233 = arith.constant 64 : index
        %parallel_loop3A_234 = tpu.vector_load %arg6[%parallel_loop3A_231, %parallel_loop3A_232, %parallel_loop3A_233] {strides = array<i32>} : memref<2x24x768xf32, #tpu.memory_space<vmem>>, vector<1x1x16xf32>,
        %parallel_loop3A_235 = vector.shape_cast %parallel_loop3A_234 : vector<1x1x16xf32> to vector<16xf32>
        %parallel_loop3A_236 = arith.addi %mul3A_135, %parallel_loop3A_162 : i32
        %parallel_loop3A_237 = arith.index_cast %parallel_loop3A_236 : i32 to index
        %parallel_loop3A_238 = arith.constant 64 : index
        %parallel_loop3A_239 = tpu.vector_load %arg5[%parallel_loop3A_237, %parallel_loop3A_238] {strides = array<i32>} : memref<72x768xf32, #tpu.memory_space<vmem>>, vector<1x16xf32>,
        %parallel_loop3A_240 = vector.shape_cast %parallel_loop3A_239 : vector<1x16xf32> to vector<16xf32>
        %parallel_loop3A_241 = arith.addf %parallel_loop3A_235, %parallel_loop3A_240 : vector<16xf32>
        %parallel_loop3A_242 = arith.index_cast %rem3A_95 : i32 to index
        %parallel_loop3A_243 = arith.index_cast %parallel_loop3A_162 : i32 to index
        %parallel_loop3A_244 = arith.constant 64 : index
        %parallel_loop3A_245 = tpu.vector_load %arg7[%parallel_loop3A_242, %parallel_loop3A_243, %parallel_loop3A_244] {strides = array<i32>} : memref<2x24x768xf32, #tpu.memory_space<vmem>>, vector<1x1x16xf32>,
        %parallel_loop3A_246 = vector.shape_cast %parallel_loop3A_245 : vector<1x1x16xf32> to vector<16xf32>
        %parallel_loop3A_247 = vector.shape_cast %parallel_loop3A_241 : vector<16xf32> to vector<1x1x16xf32>
        tpu.vector_store %arg7[%parallel_loop3A_242, %parallel_loop3A_243, %parallel_loop3A_244], %parallel_loop3A_247 {strides = array<i32>} : memref<2x24x768xf32, #tpu.memory_space<vmem>>, vector<1x1x16xf32>,
        %parallel_loop3A_248 = arith.index_cast %rem3A_95 : i32 to index
        %parallel_loop3A_249 = arith.index_cast %parallel_loop3A_162 : i32 to index
        %parallel_loop3A_250 = arith.constant 80 : index
        %parallel_loop3A_251 = tpu.vector_load %arg6[%parallel_loop3A_248, %parallel_loop3A_249, %parallel_loop3A_250] {strides = array<i32>} : memref<2x24x768xf32, #tpu.memory_space<vmem>>, vector<1x1x16xf32>,
        %parallel_loop3A_252 = vector.shape_cast %parallel_loop3A_251 : vector<1x1x16xf32> to vector<16xf32>
        %parallel_loop3A_253 = arith.addi %mul3A_135, %parallel_loop3A_162 : i32
        %parallel_loop3A_254 = arith.index_cast %parallel_loop3A_253 : i32 to index
        %parallel_loop3A_255 = arith.constant 80 : index
        %parallel_loop3A_256 = tpu.vector_load %arg5[%parallel_loop3A_254, %parallel_loop3A_255] {strides = array<i32>} : memref<72x768xf32, #tpu.memory_space<vmem>>, vector<1x16xf32>,
        %parallel_loop3A_257 = vector.shape_cast %parallel_loop3A_256 : vector<1x16xf32> to vector<16xf32>
        %parallel_loop3A_258 = arith.addf %parallel_loop3A_252, %parallel_loop3A_257 : vector<16xf32>
        %parallel_loop3A_259 = arith.index_cast %rem3A_95 : i32 to index
        %parallel_loop3A_260 = arith.index_cast %parallel_loop3A_162 : i32 to index
        %parallel_loop3A_261 = arith.constant 80 : index
        %parallel_loop3A_262 = tpu.vector_load %arg7[%parallel_loop3A_259, %parallel_loop3A_260, %parallel_loop3A_261] {strides = array<i32>} : memref<2x24x768xf32, #tpu.memory_space<vmem>>, vector<1x1x16xf32>,
        %parallel_loop3A_263 = vector.shape_cast %parallel_loop3A_262 : vector<1x1x16xf32> to vector<16xf32>
        %parallel_loop3A_264 = vector.shape_cast %parallel_loop3A_258 : vector<16xf32> to vector<1x1x16xf32>
        tpu.vector_store %arg7[%parallel_loop3A_259, %parallel_loop3A_260, %parallel_loop3A_261], %parallel_loop3A_264 {strides = array<i32>} : memref<2x24x768xf32, #tpu.memory_space<vmem>>, vector<1x1x16xf32>,
        %parallel_loop3A_265 = arith.index_cast %rem3A_95 : i32 to index
        %parallel_loop3A_266 = arith.index_cast %parallel_loop3A_162 : i32 to index
        %parallel_loop3A_267 = arith.constant 96 : index
        %parallel_loop3A_268 = tpu.vector_load %arg6[%parallel_loop3A_265, %parallel_loop3A_266, %parallel_loop3A_267] {strides = array<i32>} : memref<2x24x768xf32, #tpu.memory_space<vmem>>, vector<1x1x16xf32>,
        %parallel_loop3A_269 = vector.shape_cast %parallel_loop3A_268 : vector<1x1x16xf32> to vector<16xf32>
        %parallel_loop3A_270 = arith.addi %mul3A_135, %parallel_loop3A_162 : i32
        %parallel_loop3A_271 = arith.index_cast %parallel_loop3A_270 : i32 to index
        %parallel_loop3A_272 = arith.constant 96 : index
        %parallel_loop3A_273 = tpu.vector_load %arg5[%parallel_loop3A_271, %parallel_loop3A_272] {strides = array<i32>} : memref<72x768xf32, #tpu.memory_space<vmem>>, vector<1x16xf32>,
        %parallel_loop3A_274 = vector.shape_cast %parallel_loop3A_273 : vector<1x16xf32> to vector<16xf32>
        %parallel_loop3A_275 = arith.addf %parallel_loop3A_269, %parallel_loop3A_274 : vector<16xf32>
        %parallel_loop3A_276 = arith.index_cast %rem3A_95 : i32 to index
        %parallel_loop3A_277 = arith.index_cast %parallel_loop3A_162 : i32 to index
        %parallel_loop3A_278 = arith.constant 96 : index
        %parallel_loop3A_279 = tpu.vector_load %arg7[%parallel_loop3A_276, %parallel_loop3A_277, %parallel_loop3A_278] {strides = array<i32>} : memref<2x24x768xf32, #tpu.memory_space<vmem>>, vector<1x1x16xf32>,
        %parallel_loop3A_280 = vector.shape_cast %parallel_loop3A_279 : vector<1x1x16xf32> to vector<16xf32>
        %parallel_loop3A_281 = vector.shape_cast %parallel_loop3A_275 : vector<16xf32> to vector<1x1x16xf32>
        tpu.vector_store %arg7[%parallel_loop3A_276, %parallel_loop3A_277, %parallel_loop3A_278], %parallel_loop3A_281 {strides = array<i32>} : memref<2x24x768xf32, #tpu.memory_space<vmem>>, vector<1x1x16xf32>,
        %parallel_loop3A_282 = arith.index_cast %rem3A_95 : i32 to index
        %parallel_loop3A_283 = arith.index_cast %parallel_loop3A_162 : i32 to index
        %parallel_loop3A_284 = arith.constant 112 : index
        %parallel_loop3A_285 = tpu.vector_load %arg6[%parallel_loop3A_282, %parallel_loop3A_283, %parallel_loop3A_284] {strides = array<i32>} : memref<2x24x768xf32, #tpu.memory_space<vmem>>, vector<1x1x16xf32>,
        %parallel_loop3A_286 = vector.shape_cast %parallel_loop3A_285 : vector<1x1x16xf32> to vector<16xf32>
        %parallel_loop3A_287 = arith.addi %mul3A_135, %parallel_loop3A_162 : i32
        %parallel_loop3A_288 = arith.index_cast %parallel_loop3A_287 : i32 to index
        %parallel_loop3A_289 = arith.constant 112 : index
        %parallel_loop3A_290 = tpu.vector_load %arg5[%parallel_loop3A_288, %parallel_loop3A_289] {strides = array<i32>} : memref<72x768xf32, #tpu.memory_space<vmem>>, vector<1x16xf32>,
        %parallel_loop3A_291 = vector.shape_cast %parallel_loop3A_290 : vector<1x16xf32> to vector<16xf32>
        %parallel_loop3A_292 = arith.addf %parallel_loop3A_286, %parallel_loop3A_291 : vector<16xf32>
        %parallel_loop3A_293 = arith.index_cast %rem3A_95 : i32 to index
        %parallel_loop3A_294 = arith.index_cast %parallel_loop3A_162 : i32 to index
        %parallel_loop3A_295 = arith.constant 112 : index
        %parallel_loop3A_296 = tpu.vector_load %arg7[%parallel_loop3A_293, %parallel_loop3A_294, %parallel_loop3A_295] {strides = array<i32>} : memref<2x24x768xf32, #tpu.memory_space<vmem>>, vector<1x1x16xf32>,
        %parallel_loop3A_297 = vector.shape_cast %parallel_loop3A_296 : vector<1x1x16xf32> to vector<16xf32>
        %parallel_loop3A_298 = vector.shape_cast %parallel_loop3A_292 : vector<16xf32> to vector<1x1x16xf32>
        tpu.vector_store %arg7[%parallel_loop3A_293, %parallel_loop3A_294, %parallel_loop3A_295], %parallel_loop3A_298 {strides = array<i32>} : memref<2x24x768xf32, #tpu.memory_space<vmem>>, vector<1x1x16xf32>,
        %parallel_loop3A_299 = arith.index_cast %rem3A_95 : i32 to index
        %parallel_loop3A_300 = arith.index_cast %parallel_loop3A_162 : i32 to index
        %parallel_loop3A_301 = arith.constant 128 : index
        %parallel_loop3A_302 = tpu.vector_load %arg6[%parallel_loop3A_299, %parallel_loop3A_300, %parallel_loop3A_301] {strides = array<i32>} : memref<2x24x768xf32, #tpu.memory_space<vmem>>, vector<1x1x16xf32>,
        %parallel_loop3A_303 = vector.shape_cast %parallel_loop3A_302 : vector<1x1x16xf32> to vector<16xf32>
        %parallel_loop3A_304 = arith.addi %mul3A_135, %parallel_loop3A_162 : i32
        %parallel_loop3A_305 = arith.index_cast %parallel_loop3A_304 : i32 to index
        %parallel_loop3A_306 = arith.constant 128 : index
        %parallel_loop3A_307 = tpu.vector_load %arg5[%parallel_loop3A_305, %parallel_loop3A_306] {strides = array<i32>} : memref<72x768xf32, #tpu.memory_space<vmem>>, vector<1x16xf32>,
        %parallel_loop3A_308 = vector.shape_cast %parallel_loop3A_307 : vector<1x16xf32> to vector<16xf32>
        %parallel_loop3A_309 = arith.addf %parallel_loop3A_303, %parallel_loop3A_308 : vector<16xf32>
        %parallel_loop3A_310 = arith.index_cast %rem3A_95 : i32 to index
        %parallel_loop3A_311 = arith.index_cast %parallel_loop3A_162 : i32 to index
        %parallel_loop3A_312 = arith.constant 128 : index
        %parallel_loop3A_313 = tpu.vector_load %arg7[%parallel_loop3A_310, %parallel_loop3A_311, %parallel_loop3A_312] {strides = array<i32>} : memref<2x24x768xf32, #tpu.memory_space<vmem>>, vector<1x1x16xf32>,
        %parallel_loop3A_314 = vector.shape_cast %parallel_loop3A_313 : vector<1x1x16xf32> to vector<16xf32>
        %parallel_loop3A_315 = vector.shape_cast %parallel_loop3A_309 : vector<16xf32> to vector<1x1x16xf32>
        tpu.vector_store %arg7[%parallel_loop3A_310, %parallel_loop3A_311, %parallel_loop3A_312], %parallel_loop3A_315 {strides = array<i32>} : memref<2x24x768xf32, #tpu.memory_space<vmem>>, vector<1x1x16xf32>,
        %parallel_loop3A_316 = arith.index_cast %rem3A_95 : i32 to index
        %parallel_loop3A_317 = arith.index_cast %parallel_loop3A_162 : i32 to index
        %parallel_loop3A_318 = arith.constant 144 : index
        %parallel_loop3A_319 = tpu.vector_load %arg6[%parallel_loop3A_316, %parallel_loop3A_317, %parallel_loop3A_318] {strides = array<i32>} : memref<2x24x768xf32, #tpu.memory_space<vmem>>, vector<1x1x16xf32>,
        %parallel_loop3A_320 = vector.shape_cast %parallel_loop3A_319 : vector<1x1x16xf32> to vector<16xf32>
        %parallel_loop3A_321 = arith.addi %mul3A_135, %parallel_loop3A_162 : i32
        %parallel_loop3A_322 = arith.index_cast %parallel_loop3A_321 : i32 to index
        %parallel_loop3A_323 = arith.constant 144 : index
        %parallel_loop3A_324 = tpu.vector_load %arg5[%parallel_loop3A_322, %parallel_loop3A_323] {strides = array<i32>} : memref<72x768xf32, #tpu.memory_space<vmem>>, vector<1x16xf32>,
        %parallel_loop3A_325 = vector.shape_cast %parallel_loop3A_324 : vector<1x16xf32> to vector<16xf32>
        %parallel_loop3A_326 = arith.addf %parallel_loop3A_320, %parallel_loop3A_325 : vector<16xf32>
        %parallel_loop3A_327 = arith.index_cast %rem3A_95 : i32 to index
        %parallel_loop3A_328 = arith.index_cast %parallel_loop3A_162 : i32 to index
        %parallel_loop3A_329 = arith.constant 144 : index
        %parallel_loop3A_330 = tpu.vector_load %arg7[%parallel_loop3A_327, %parallel_loop3A_328, %parallel_loop3A_329] {strides = array<i32>} : memref<2x24x768xf32, #tpu.memory_space<vmem>>, vector<1x1x16xf32>,
        %parallel_loop3A_331 = vector.shape_cast %parallel_loop3A_330 : vector<1x1x16xf32> to vector<16xf32>
        %parallel_loop3A_332 = vector.shape_cast %parallel_loop3A_326 : vector<16xf32> to vector<1x1x16xf32>
        tpu.vector_store %arg7[%parallel_loop3A_327, %parallel_loop3A_328, %parallel_loop3A_329], %parallel_loop3A_332 {strides = array<i32>} : memref<2x24x768xf32, #tpu.memory_space<vmem>>, vector<1x1x16xf32>,
        %parallel_loop3A_333 = arith.index_cast %rem3A_95 : i32 to index
        %parallel_loop3A_334 = arith.index_cast %parallel_loop3A_162 : i32 to index
        %parallel_loop3A_335 = arith.constant 160 : index
        %parallel_loop3A_336 = tpu.vector_load %arg6[%parallel_loop3A_333, %parallel_loop3A_334, %parallel_loop3A_335] {strides = array<i32>} : memref<2x24x768xf32, #tpu.memory_space<vmem>>, vector<1x1x16xf32>,
        %parallel_loop3A_337 = vector.shape_cast %parallel_loop3A_336 : vector<1x1x16xf32> to vector<16xf32>
        %parallel_loop3A_338 = arith.addi %mul3A_135, %parallel_loop3A_162 : i32
        %parallel_loop3A_339 = arith.index_cast %parallel_loop3A_338 : i32 to index
        %parallel_loop3A_340 = arith.constant 160 : index
        %parallel_loop3A_341 = tpu.vector_load %arg5[%parallel_loop3A_339, %parallel_loop3A_340] {strides = array<i32>} : memref<72x768xf32, #tpu.memory_space<vmem>>, vector<1x16xf32>,
        %parallel_loop3A_342 = vector.shape_cast %parallel_loop3A_341 : vector<1x16xf32> to vector<16xf32>
        %parallel_loop3A_343 = arith.addf %parallel_loop3A_337, %parallel_loop3A_342 : vector<16xf32>
        %parallel_loop3A_344 = arith.index_cast %rem3A_95 : i32 to index
        %parallel_loop3A_345 = arith.index_cast %parallel_loop3A_162 : i32 to index
        %parallel_loop3A_346 = arith.constant 160 : index
        %parallel_loop3A_347 = tpu.vector_load %arg7[%parallel_loop3A_344, %parallel_loop3A_345, %parallel_loop3A_346] {strides = array<i32>} : memref<2x24x768xf32, #tpu.memory_space<vmem>>, vector<1x1x16xf32>,
        %parallel_loop3A_348 = vector.shape_cast %parallel_loop3A_347 : vector<1x1x16xf32> to vector<16xf32>
        %parallel_loop3A_349 = vector.shape_cast %parallel_loop3A_343 : vector<16xf32> to vector<1x1x16xf32>
        tpu.vector_store %arg7[%parallel_loop3A_344, %parallel_loop3A_345, %parallel_loop3A_346], %parallel_loop3A_349 {strides = array<i32>} : memref<2x24x768xf32, #tpu.memory_space<vmem>>, vector<1x1x16xf32>,
        %parallel_loop3A_350 = arith.index_cast %rem3A_95 : i32 to index
        %parallel_loop3A_351 = arith.index_cast %parallel_loop3A_162 : i32 to index
        %parallel_loop3A_352 = arith.constant 176 : index
        %parallel_loop3A_353 = tpu.vector_load %arg6[%parallel_loop3A_350, %parallel_loop3A_351, %parallel_loop3A_352] {strides = array<i32>} : memref<2x24x768xf32, #tpu.memory_space<vmem>>, vector<1x1x16xf32>,
        %parallel_loop3A_354 = vector.shape_cast %parallel_loop3A_353 : vector<1x1x16xf32> to vector<16xf32>
        %parallel_loop3A_355 = arith.addi %mul3A_135, %parallel_loop3A_162 : i32
        %parallel_loop3A_356 = arith.index_cast %parallel_loop3A_355 : i32 to index
        %parallel_loop3A_357 = arith.constant 176 : index
        %parallel_loop3A_358 = tpu.vector_load %arg5[%parallel_loop3A_356, %parallel_loop3A_357] {strides = array<i32>} : memref<72x768xf32, #tpu.memory_space<vmem>>, vector<1x16xf32>,
        %parallel_loop3A_359 = vector.shape_cast %parallel_loop3A_358 : vector<1x16xf32> to vector<16xf32>
        %parallel_loop3A_360 = arith.addf %parallel_loop3A_354, %parallel_loop3A_359 : vector<16xf32>
        %parallel_loop3A_361 = arith.index_cast %rem3A_95 : i32 to index
        %parallel_loop3A_362 = arith.index_cast %parallel_loop3A_162 : i32 to index
        %parallel_loop3A_363 = arith.constant 176 : index
        %parallel_loop3A_364 = tpu.vector_load %arg7[%parallel_loop3A_361, %parallel_loop3A_362, %parallel_loop3A_363] {strides = array<i32>} : memref<2x24x768xf32, #tpu.memory_space<vmem>>, vector<1x1x16xf32>,
        %parallel_loop3A_365 = vector.shape_cast %parallel_loop3A_364 : vector<1x1x16xf32> to vector<16xf32>
        %parallel_loop3A_366 = vector.shape_cast %parallel_loop3A_360 : vector<16xf32> to vector<1x1x16xf32>
        tpu.vector_store %arg7[%parallel_loop3A_361, %parallel_loop3A_362, %parallel_loop3A_363], %parallel_loop3A_366 {strides = array<i32>} : memref<2x24x768xf32, #tpu.memory_space<vmem>>, vector<1x1x16xf32>,
        %parallel_loop3A_367 = arith.index_cast %rem3A_95 : i32 to index
        %parallel_loop3A_368 = arith.index_cast %parallel_loop3A_162 : i32 to index
        %parallel_loop3A_369 = arith.constant 192 : index
        %parallel_loop3A_370 = tpu.vector_load %arg6[%parallel_loop3A_367, %parallel_loop3A_368, %parallel_loop3A_369] {strides = array<i32>} : memref<2x24x768xf32, #tpu.memory_space<vmem>>, vector<1x1x16xf32>,
        %parallel_loop3A_371 = vector.shape_cast %parallel_loop3A_370 : vector<1x1x16xf32> to vector<16xf32>
        %parallel_loop3A_372 = arith.addi %mul3A_135, %parallel_loop3A_162 : i32
        %parallel_loop3A_373 = arith.index_cast %parallel_loop3A_372 : i32 to index
        %parallel_loop3A_374 = arith.constant 192 : index
        %parallel_loop3A_375 = tpu.vector_load %arg5[%parallel_loop3A_373, %parallel_loop3A_374] {strides = array<i32>} : memref<72x768xf32, #tpu.memory_space<vmem>>, vector<1x16xf32>,
        %parallel_loop3A_376 = vector.shape_cast %parallel_loop3A_375 : vector<1x16xf32> to vector<16xf32>
        %parallel_loop3A_377 = arith.addf %parallel_loop3A_371, %parallel_loop3A_376 : vector<16xf32>
        %parallel_loop3A_378 = arith.index_cast %rem3A_95 : i32 to index
        %parallel_loop3A_379 = arith.index_cast %parallel_loop3A_162 : i32 to index
        %parallel_loop3A_380 = arith.constant 192 : index
        %parallel_loop3A_381 = tpu.vector_load %arg7[%parallel_loop3A_378, %parallel_loop3A_379, %parallel_loop3A_380] {strides = array<i32>} : memref<2x24x768xf32, #tpu.memory_space<vmem>>, vector<1x1x16xf32>,
        %parallel_loop3A_382 = vector.shape_cast %parallel_loop3A_381 : vector<1x1x16xf32> to vector<16xf32>
        %parallel_loop3A_383 = vector.shape_cast %parallel_loop3A_377 : vector<16xf32> to vector<1x1x16xf32>
        tpu.vector_store %arg7[%parallel_loop3A_378, %parallel_loop3A_379, %parallel_loop3A_380], %parallel_loop3A_383 {strides = array<i32>} : memref<2x24x768xf32, #tpu.memory_space<vmem>>, vector<1x1x16xf32>,
        %parallel_loop3A_384 = arith.index_cast %rem3A_95 : i32 to index
        %parallel_loop3A_385 = arith.index_cast %parallel_loop3A_162 : i32 to index
        %parallel_loop3A_386 = arith.constant 208 : index
        %parallel_loop3A_387 = tpu.vector_load %arg6[%parallel_loop3A_384, %parallel_loop3A_385, %parallel_loop3A_386] {strides = array<i32>} : memref<2x24x768xf32, #tpu.memory_space<vmem>>, vector<1x1x16xf32>,
        %parallel_loop3A_388 = vector.shape_cast %parallel_loop3A_387 : vector<1x1x16xf32> to vector<16xf32>
        %parallel_loop3A_389 = arith.addi %mul3A_135, %parallel_loop3A_162 : i32
        %parallel_loop3A_390 = arith.index_cast %parallel_loop3A_389 : i32 to index
        %parallel_loop3A_391 = arith.constant 208 : index
        %parallel_loop3A_392 = tpu.vector_load %arg5[%parallel_loop3A_390, %parallel_loop3A_391] {strides = array<i32>} : memref<72x768xf32, #tpu.memory_space<vmem>>, vector<1x16xf32>,
        %parallel_loop3A_393 = vector.shape_cast %parallel_loop3A_392 : vector<1x16xf32> to vector<16xf32>
        %parallel_loop3A_394 = arith.addf %parallel_loop3A_388, %parallel_loop3A_393 : vector<16xf32>
        %parallel_loop3A_395 = arith.index_cast %rem3A_95 : i32 to index
        %parallel_loop3A_396 = arith.index_cast %parallel_loop3A_162 : i32 to index
        %parallel_loop3A_397 = arith.constant 208 : index
        %parallel_loop3A_398 = tpu.vector_load %arg7[%parallel_loop3A_395, %parallel_loop3A_396, %parallel_loop3A_397] {strides = array<i32>} : memref<2x24x768xf32, #tpu.memory_space<vmem>>, vector<1x1x16xf32>,
        %parallel_loop3A_399 = vector.shape_cast %parallel_loop3A_398 : vector<1x1x16xf32> to vector<16xf32>
        %parallel_loop3A_400 = vector.shape_cast %parallel_loop3A_394 : vector<16xf32> to vector<1x1x16xf32>
        tpu.vector_store %arg7[%parallel_loop3A_395, %parallel_loop3A_396, %parallel_loop3A_397], %parallel_loop3A_400 {strides = array<i32>} : memref<2x24x768xf32, #tpu.memory_space<vmem>>, vector<1x1x16xf32>,
        %parallel_loop3A_401 = arith.index_cast %rem3A_95 : i32 to index
        %parallel_loop3A_402 = arith.index_cast %parallel_loop3A_162 : i32 to index
        %parallel_loop3A_403 = arith.constant 224 : index
        %parallel_loop3A_404 = tpu.vector_load %arg6[%parallel_loop3A_401, %parallel_loop3A_402, %parallel_loop3A_403] {strides = array<i32>} : memref<2x24x768xf32, #tpu.memory_space<vmem>>, vector<1x1x16xf32>,
        %parallel_loop3A_405 = vector.shape_cast %parallel_loop3A_404 : vector<1x1x16xf32> to vector<16xf32>
        %parallel_loop3A_406 = arith.addi %mul3A_135, %parallel_loop3A_162 : i32
        %parallel_loop3A_407 = arith.index_cast %parallel_loop3A_406 : i32 to index
        %parallel_loop3A_408 = arith.constant 224 : index
        %parallel_loop3A_409 = tpu.vector_load %arg5[%parallel_loop3A_407, %parallel_loop3A_408] {strides = array<i32>} : memref<72x768xf32, #tpu.memory_space<vmem>>, vector<1x16xf32>,
        %parallel_loop3A_410 = vector.shape_cast %parallel_loop3A_409 : vector<1x16xf32> to vector<16xf32>
        %parallel_loop3A_411 = arith.addf %parallel_loop3A_405, %parallel_loop3A_410 : vector<16xf32>
        %parallel_loop3A_412 = arith.index_cast %rem3A_95 : i32 to index
        %parallel_loop3A_413 = arith.index_cast %parallel_loop3A_162 : i32 to index
        %parallel_loop3A_414 = arith.constant 224 : index
        %parallel_loop3A_415 = tpu.vector_load %arg7[%parallel_loop3A_412, %parallel_loop3A_413, %parallel_loop3A_414] {strides = array<i32>} : memref<2x24x768xf32, #tpu.memory_space<vmem>>, vector<1x1x16xf32>,
        %parallel_loop3A_416 = vector.shape_cast %parallel_loop3A_415 : vector<1x1x16xf32> to vector<16xf32>
        %parallel_loop3A_417 = vector.shape_cast %parallel_loop3A_411 : vector<16xf32> to vector<1x1x16xf32>
        tpu.vector_store %arg7[%parallel_loop3A_412, %parallel_loop3A_413, %parallel_loop3A_414], %parallel_loop3A_417 {strides = array<i32>} : memref<2x24x768xf32, #tpu.memory_space<vmem>>, vector<1x1x16xf32>,
        %parallel_loop3A_418 = arith.index_cast %rem3A_95 : i32 to index
        %parallel_loop3A_419 = arith.index_cast %parallel_loop3A_162 : i32 to index
        %parallel_loop3A_420 = arith.constant 240 : index
        %parallel_loop3A_421 = tpu.vector_load %arg6[%parallel_loop3A_418, %parallel_loop3A_419, %parallel_loop3A_420] {strides = array<i32>} : memref<2x24x768xf32, #tpu.memory_space<vmem>>, vector<1x1x16xf32>,
        %parallel_loop3A_422 = vector.shape_cast %parallel_loop3A_421 : vector<1x1x16xf32> to vector<16xf32>
        %parallel_loop3A_423 = arith.addi %mul3A_135, %parallel_loop3A_162 : i32
        %parallel_loop3A_424 = arith.index_cast %parallel_loop3A_423 : i32 to index
        %parallel_loop3A_425 = arith.constant 240 : index
        %parallel_loop3A_426 = tpu.vector_load %arg5[%parallel_loop3A_424, %parallel_loop3A_425] {strides = array<i32>} : memref<72x768xf32, #tpu.memory_space<vmem>>, vector<1x16xf32>,
        %parallel_loop3A_427 = vector.shape_cast %parallel_loop3A_426 : vector<1x16xf32> to vector<16xf32>
        %parallel_loop3A_428 = arith.addf %parallel_loop3A_422, %parallel_loop3A_427 : vector<16xf32>
        %parallel_loop3A_429 = arith.index_cast %rem3A_95 : i32 to index
        %parallel_loop3A_430 = arith.index_cast %parallel_loop3A_162 : i32 to index
        %parallel_loop3A_431 = arith.constant 240 : index
        %parallel_loop3A_432 = tpu.vector_load %arg7[%parallel_loop3A_429, %parallel_loop3A_430, %parallel_loop3A_431] {strides = array<i32>} : memref<2x24x768xf32, #tpu.memory_space<vmem>>, vector<1x1x16xf32>,
        %parallel_loop3A_433 = vector.shape_cast %parallel_loop3A_432 : vector<1x1x16xf32> to vector<16xf32>
        %parallel_loop3A_434 = vector.shape_cast %parallel_loop3A_428 : vector<16xf32> to vector<1x1x16xf32>
        tpu.vector_store %arg7[%parallel_loop3A_429, %parallel_loop3A_430, %parallel_loop3A_431], %parallel_loop3A_434 {strides = array<i32>} : memref<2x24x768xf32, #tpu.memory_space<vmem>>, vector<1x1x16xf32>,
        %parallel_loop3A_435 = arith.index_cast %rem3A_95 : i32 to index
        %parallel_loop3A_436 = arith.index_cast %parallel_loop3A_162 : i32 to index
        %parallel_loop3A_437 = arith.constant 256 : index
        %parallel_loop3A_438 = tpu.vector_load %arg6[%parallel_loop3A_435, %parallel_loop3A_436, %parallel_loop3A_437] {strides = array<i32>} : memref<2x24x768xf32, #tpu.memory_space<vmem>>, vector<1x1x16xf32>,
        %parallel_loop3A_439 = vector.shape_cast %parallel_loop3A_438 : vector<1x1x16xf32> to vector<16xf32>
        %parallel_loop3A_440 = arith.addi %mul3A_135, %parallel_loop3A_162 : i32
        %parallel_loop3A_441 = arith.index_cast %parallel_loop3A_440 : i32 to index
        %parallel_loop3A_442 = arith.constant 256 : index
        %parallel_loop3A_443 = tpu.vector_load %arg5[%parallel_loop3A_441, %parallel_loop3A_442] {strides = array<i32>} : memref<72x768xf32, #tpu.memory_space<vmem>>, vector<1x16xf32>,
        %parallel_loop3A_444 = vector.shape_cast %parallel_loop3A_443 : vector<1x16xf32> to vector<16xf32>
        %parallel_loop3A_445 = arith.addf %parallel_loop3A_439, %parallel_loop3A_444 : vector<16xf32>
        %parallel_loop3A_446 = arith.index_cast %rem3A_95 : i32 to index
        %parallel_loop3A_447 = arith.index_cast %parallel_loop3A_162 : i32 to index
        %parallel_loop3A_448 = arith.constant 256 : index
        %parallel_loop3A_449 = tpu.vector_load %arg7[%parallel_loop3A_446, %parallel_loop3A_447, %parallel_loop3A_448] {strides = array<i32>} : memref<2x24x768xf32, #tpu.memory_space<vmem>>, vector<1x1x16xf32>,
        %parallel_loop3A_450 = vector.shape_cast %parallel_loop3A_449 : vector<1x1x16xf32> to vector<16xf32>
        %parallel_loop3A_451 = vector.shape_cast %parallel_loop3A_445 : vector<16xf32> to vector<1x1x16xf32>
        tpu.vector_store %arg7[%parallel_loop3A_446, %parallel_loop3A_447, %parallel_loop3A_448], %parallel_loop3A_451 {strides = array<i32>} : memref<2x24x768xf32, #tpu.memory_space<vmem>>, vector<1x1x16xf32>,
        %parallel_loop3A_452 = arith.index_cast %rem3A_95 : i32 to index
        %parallel_loop3A_453 = arith.index_cast %parallel_loop3A_162 : i32 to index
        %parallel_loop3A_454 = arith.constant 272 : index
        %parallel_loop3A_455 = tpu.vector_load %arg6[%parallel_loop3A_452, %parallel_loop3A_453, %parallel_loop3A_454] {strides = array<i32>} : memref<2x24x768xf32, #tpu.memory_space<vmem>>, vector<1x1x16xf32>,
        %parallel_loop3A_456 = vector.shape_cast %parallel_loop3A_455 : vector<1x1x16xf32> to vector<16xf32>
        %parallel_loop3A_457 = arith.addi %mul3A_135, %parallel_loop3A_162 : i32
        %parallel_loop3A_458 = arith.index_cast %parallel_loop3A_457 : i32 to index
        %parallel_loop3A_459 = arith.constant 272 : index
        %parallel_loop3A_460 = tpu.vector_load %arg5[%parallel_loop3A_458, %parallel_loop3A_459] {strides = array<i32>} : memref<72x768xf32, #tpu.memory_space<vmem>>, vector<1x16xf32>,
        %parallel_loop3A_461 = vector.shape_cast %parallel_loop3A_460 : vector<1x16xf32> to vector<16xf32>
        %parallel_loop3A_462 = arith.addf %parallel_loop3A_456, %parallel_loop3A_461 : vector<16xf32>
        %parallel_loop3A_463 = arith.index_cast %rem3A_95 : i32 to index
        %parallel_loop3A_464 = arith.index_cast %parallel_loop3A_162 : i32 to index
        %parallel_loop3A_465 = arith.constant 272 : index
        %parallel_loop3A_466 = tpu.vector_load %arg7[%parallel_loop3A_463, %parallel_loop3A_464, %parallel_loop3A_465] {strides = array<i32>} : memref<2x24x768xf32, #tpu.memory_space<vmem>>, vector<1x1x16xf32>,
        %parallel_loop3A_467 = vector.shape_cast %parallel_loop3A_466 : vector<1x1x16xf32> to vector<16xf32>
        %parallel_loop3A_468 = vector.shape_cast %parallel_loop3A_462 : vector<16xf32> to vector<1x1x16xf32>
        tpu.vector_store %arg7[%parallel_loop3A_463, %parallel_loop3A_464, %parallel_loop3A_465], %parallel_loop3A_468 {strides = array<i32>} : memref<2x24x768xf32, #tpu.memory_space<vmem>>, vector<1x1x16xf32>,
        %parallel_loop3A_469 = arith.index_cast %rem3A_95 : i32 to index
        %parallel_loop3A_470 = arith.index_cast %parallel_loop3A_162 : i32 to index
        %parallel_loop3A_471 = arith.constant 288 : index
        %parallel_loop3A_472 = tpu.vector_load %arg6[%parallel_loop3A_469, %parallel_loop3A_470, %parallel_loop3A_471] {strides = array<i32>} : memref<2x24x768xf32, #tpu.memory_space<vmem>>, vector<1x1x16xf32>,
        %parallel_loop3A_473 = vector.shape_cast %parallel_loop3A_472 : vector<1x1x16xf32> to vector<16xf32>
        %parallel_loop3A_474 = arith.addi %mul3A_135, %parallel_loop3A_162 : i32
        %parallel_loop3A_475 = arith.index_cast %parallel_loop3A_474 : i32 to index
        %parallel_loop3A_476 = arith.constant 288 : index
        %parallel_loop3A_477 = tpu.vector_load %arg5[%parallel_loop3A_475, %parallel_loop3A_476] {strides = array<i32>} : memref<72x768xf32, #tpu.memory_space<vmem>>, vector<1x16xf32>,
        %parallel_loop3A_478 = vector.shape_cast %parallel_loop3A_477 : vector<1x16xf32> to vector<16xf32>
        %parallel_loop3A_479 = arith.addf %parallel_loop3A_473, %parallel_loop3A_478 : vector<16xf32>
        %parallel_loop3A_480 = arith.index_cast %rem3A_95 : i32 to index
        %parallel_loop3A_481 = arith.index_cast %parallel_loop3A_162 : i32 to index
        %parallel_loop3A_482 = arith.constant 288 : index
        %parallel_loop3A_483 = tpu.vector_load %arg7[%parallel_loop3A_480, %parallel_loop3A_481, %parallel_loop3A_482] {strides = array<i32>} : memref<2x24x768xf32, #tpu.memory_space<vmem>>, vector<1x1x16xf32>,
        %parallel_loop3A_484 = vector.shape_cast %parallel_loop3A_483 : vector<1x1x16xf32> to vector<16xf32>
        %parallel_loop3A_485 = vector.shape_cast %parallel_loop3A_479 : vector<16xf32> to vector<1x1x16xf32>
        tpu.vector_store %arg7[%parallel_loop3A_480, %parallel_loop3A_481, %parallel_loop3A_482], %parallel_loop3A_485 {strides = array<i32>} : memref<2x24x768xf32, #tpu.memory_space<vmem>>, vector<1x1x16xf32>,
        %parallel_loop3A_486 = arith.index_cast %rem3A_95 : i32 to index
        %parallel_loop3A_487 = arith.index_cast %parallel_loop3A_162 : i32 to index
        %parallel_loop3A_488 = arith.constant 304 : index
        %parallel_loop3A_489 = tpu.vector_load %arg6[%parallel_loop3A_486, %parallel_loop3A_487, %parallel_loop3A_488] {strides = array<i32>} : memref<2x24x768xf32, #tpu.memory_space<vmem>>, vector<1x1x16xf32>,
        %parallel_loop3A_490 = vector.shape_cast %parallel_loop3A_489 : vector<1x1x16xf32> to vector<16xf32>
        %parallel_loop3A_491 = arith.addi %mul3A_135, %parallel_loop3A_162 : i32
        %parallel_loop3A_492 = arith.index_cast %parallel_loop3A_491 : i32 to index
        %parallel_loop3A_493 = arith.constant 304 : index
        %parallel_loop3A_494 = tpu.vector_load %arg5[%parallel_loop3A_492, %parallel_loop3A_493] {strides = array<i32>} : memref<72x768xf32, #tpu.memory_space<vmem>>, vector<1x16xf32>,
        %parallel_loop3A_495 = vector.shape_cast %parallel_loop3A_494 : vector<1x16xf32> to vector<16xf32>
        %parallel_loop3A_496 = arith.addf %parallel_loop3A_490, %parallel_loop3A_495 : vector<16xf32>
        %parallel_loop3A_497 = arith.index_cast %rem3A_95 : i32 to index
        %parallel_loop3A_498 = arith.index_cast %parallel_loop3A_162 : i32 to index
        %parallel_loop3A_499 = arith.constant 304 : index
        %parallel_loop3A_500 = tpu.vector_load %arg7[%parallel_loop3A_497, %parallel_loop3A_498, %parallel_loop3A_499] {strides = array<i32>} : memref<2x24x768xf32, #tpu.memory_space<vmem>>, vector<1x1x16xf32>,
        %parallel_loop3A_501 = vector.shape_cast %parallel_loop3A_500 : vector<1x1x16xf32> to vector<16xf32>
        %parallel_loop3A_502 = vector.shape_cast %parallel_loop3A_496 : vector<16xf32> to vector<1x1x16xf32>
        tpu.vector_store %arg7[%parallel_loop3A_497, %parallel_loop3A_498, %parallel_loop3A_499], %parallel_loop3A_502 {strides = array<i32>} : memref<2x24x768xf32, #tpu.memory_space<vmem>>, vector<1x1x16xf32>,
        %parallel_loop3A_503 = arith.index_cast %rem3A_95 : i32 to index
        %parallel_loop3A_504 = arith.index_cast %parallel_loop3A_162 : i32 to index
        %parallel_loop3A_505 = arith.constant 320 : index
        %parallel_loop3A_506 = tpu.vector_load %arg6[%parallel_loop3A_503, %parallel_loop3A_504, %parallel_loop3A_505] {strides = array<i32>} : memref<2x24x768xf32, #tpu.memory_space<vmem>>, vector<1x1x16xf32>,
        %parallel_loop3A_507 = vector.shape_cast %parallel_loop3A_506 : vector<1x1x16xf32> to vector<16xf32>
        %parallel_loop3A_508 = arith.addi %mul3A_135, %parallel_loop3A_162 : i32
        %parallel_loop3A_509 = arith.index_cast %parallel_loop3A_508 : i32 to index
        %parallel_loop3A_510 = arith.constant 320 : index
        %parallel_loop3A_511 = tpu.vector_load %arg5[%parallel_loop3A_509, %parallel_loop3A_510] {strides = array<i32>} : memref<72x768xf32, #tpu.memory_space<vmem>>, vector<1x16xf32>,
        %parallel_loop3A_512 = vector.shape_cast %parallel_loop3A_511 : vector<1x16xf32> to vector<16xf32>
        %parallel_loop3A_513 = arith.addf %parallel_loop3A_507, %parallel_loop3A_512 : vector<16xf32>
        %parallel_loop3A_514 = arith.index_cast %rem3A_95 : i32 to index
        %parallel_loop3A_515 = arith.index_cast %parallel_loop3A_162 : i32 to index
        %parallel_loop3A_516 = arith.constant 320 : index
        %parallel_loop3A_517 = tpu.vector_load %arg7[%parallel_loop3A_514, %parallel_loop3A_515, %parallel_loop3A_516] {strides = array<i32>} : memref<2x24x768xf32, #tpu.memory_space<vmem>>, vector<1x1x16xf32>,
        %parallel_loop3A_518 = vector.shape_cast %parallel_loop3A_517 : vector<1x1x16xf32> to vector<16xf32>
        %parallel_loop3A_519 = vector.shape_cast %parallel_loop3A_513 : vector<16xf32> to vector<1x1x16xf32>
        tpu.vector_store %arg7[%parallel_loop3A_514, %parallel_loop3A_515, %parallel_loop3A_516], %parallel_loop3A_519 {strides = array<i32>} : memref<2x24x768xf32, #tpu.memory_space<vmem>>, vector<1x1x16xf32>,
        %parallel_loop3A_520 = arith.index_cast %rem3A_95 : i32 to index
        %parallel_loop3A_521 = arith.index_cast %parallel_loop3A_162 : i32 to index
        %parallel_loop3A_522 = arith.constant 336 : index
        %parallel_loop3A_523 = tpu.vector_load %arg6[%parallel_loop3A_520, %parallel_loop3A_521, %parallel_loop3A_522] {strides = array<i32>} : memref<2x24x768xf32, #tpu.memory_space<vmem>>, vector<1x1x16xf32>,
        %parallel_loop3A_524 = vector.shape_cast %parallel_loop3A_523 : vector<1x1x16xf32> to vector<16xf32>
        %parallel_loop3A_525 = arith.addi %mul3A_135, %parallel_loop3A_162 : i32
        %parallel_loop3A_526 = arith.index_cast %parallel_loop3A_525 : i32 to index
        %parallel_loop3A_527 = arith.constant 336 : index
        %parallel_loop3A_528 = tpu.vector_load %arg5[%parallel_loop3A_526, %parallel_loop3A_527] {strides = array<i32>} : memref<72x768xf32, #tpu.memory_space<vmem>>, vector<1x16xf32>,
        %parallel_loop3A_529 = vector.shape_cast %parallel_loop3A_528 : vector<1x16xf32> to vector<16xf32>
        %parallel_loop3A_530 = arith.addf %parallel_loop3A_524, %parallel_loop3A_529 : vector<16xf32>
        %parallel_loop3A_531 = arith.index_cast %rem3A_95 : i32 to index
        %parallel_loop3A_532 = arith.index_cast %parallel_loop3A_162 : i32 to index
        %parallel_loop3A_533 = arith.constant 336 : index
        %parallel_loop3A_534 = tpu.vector_load %arg7[%parallel_loop3A_531, %parallel_loop3A_532, %parallel_loop3A_533] {strides = array<i32>} : memref<2x24x768xf32, #tpu.memory_space<vmem>>, vector<1x1x16xf32>,
        %parallel_loop3A_535 = vector.shape_cast %parallel_loop3A_534 : vector<1x1x16xf32> to vector<16xf32>
        %parallel_loop3A_536 = vector.shape_cast %parallel_loop3A_530 : vector<16xf32> to vector<1x1x16xf32>
        tpu.vector_store %arg7[%parallel_loop3A_531, %parallel_loop3A_532, %parallel_loop3A_533], %parallel_loop3A_536 {strides = array<i32>} : memref<2x24x768xf32, #tpu.memory_space<vmem>>, vector<1x1x16xf32>,
        %parallel_loop3A_537 = arith.index_cast %rem3A_95 : i32 to index
        %parallel_loop3A_538 = arith.index_cast %parallel_loop3A_162 : i32 to index
        %parallel_loop3A_539 = arith.constant 352 : index
        %parallel_loop3A_540 = tpu.vector_load %arg6[%parallel_loop3A_537, %parallel_loop3A_538, %parallel_loop3A_539] {strides = array<i32>} : memref<2x24x768xf32, #tpu.memory_space<vmem>>, vector<1x1x16xf32>,
        %parallel_loop3A_541 = vector.shape_cast %parallel_loop3A_540 : vector<1x1x16xf32> to vector<16xf32>
        %parallel_loop3A_542 = arith.addi %mul3A_135, %parallel_loop3A_162 : i32
        %parallel_loop3A_543 = arith.index_cast %parallel_loop3A_542 : i32 to index
        %parallel_loop3A_544 = arith.constant 352 : index
        %parallel_loop3A_545 = tpu.vector_load %arg5[%parallel_loop3A_543, %parallel_loop3A_544] {strides = array<i32>} : memref<72x768xf32, #tpu.memory_space<vmem>>, vector<1x16xf32>,
        %parallel_loop3A_546 = vector.shape_cast %parallel_loop3A_545 : vector<1x16xf32> to vector<16xf32>
        %parallel_loop3A_547 = arith.addf %parallel_loop3A_541, %parallel_loop3A_546 : vector<16xf32>
        %parallel_loop3A_548 = arith.index_cast %rem3A_95 : i32 to index
        %parallel_loop3A_549 = arith.index_cast %parallel_loop3A_162 : i32 to index
        %parallel_loop3A_550 = arith.constant 352 : index
        %parallel_loop3A_551 = tpu.vector_load %arg7[%parallel_loop3A_548, %parallel_loop3A_549, %parallel_loop3A_550] {strides = array<i32>} : memref<2x24x768xf32, #tpu.memory_space<vmem>>, vector<1x1x16xf32>,
        %parallel_loop3A_552 = vector.shape_cast %parallel_loop3A_551 : vector<1x1x16xf32> to vector<16xf32>
        %parallel_loop3A_553 = vector.shape_cast %parallel_loop3A_547 : vector<16xf32> to vector<1x1x16xf32>
        tpu.vector_store %arg7[%parallel_loop3A_548, %parallel_loop3A_549, %parallel_loop3A_550], %parallel_loop3A_553 {strides = array<i32>} : memref<2x24x768xf32, #tpu.memory_space<vmem>>, vector<1x1x16xf32>,
        %parallel_loop3A_554 = arith.index_cast %rem3A_95 : i32 to index
        %parallel_loop3A_555 = arith.index_cast %parallel_loop3A_162 : i32 to index
        %parallel_loop3A_556 = arith.constant 368 : index
        %parallel_loop3A_557 = tpu.vector_load %arg6[%parallel_loop3A_554, %parallel_loop3A_555, %parallel_loop3A_556] {strides = array<i32>} : memref<2x24x768xf32, #tpu.memory_space<vmem>>, vector<1x1x16xf32>,
        %parallel_loop3A_558 = vector.shape_cast %parallel_loop3A_557 : vector<1x1x16xf32> to vector<16xf32>
        %parallel_loop3A_559 = arith.addi %mul3A_135, %parallel_loop3A_162 : i32
        %parallel_loop3A_560 = arith.index_cast %parallel_loop3A_559 : i32 to index
        %parallel_loop3A_561 = arith.constant 368 : index
        %parallel_loop3A_562 = tpu.vector_load %arg5[%parallel_loop3A_560, %parallel_loop3A_561] {strides = array<i32>} : memref<72x768xf32, #tpu.memory_space<vmem>>, vector<1x16xf32>,
        %parallel_loop3A_563 = vector.shape_cast %parallel_loop3A_562 : vector<1x16xf32> to vector<16xf32>
        %parallel_loop3A_564 = arith.addf %parallel_loop3A_558, %parallel_loop3A_563 : vector<16xf32>
        %parallel_loop3A_565 = arith.index_cast %rem3A_95 : i32 to index
        %parallel_loop3A_566 = arith.index_cast %parallel_loop3A_162 : i32 to index
        %parallel_loop3A_567 = arith.constant 368 : index
        %parallel_loop3A_568 = tpu.vector_load %arg7[%parallel_loop3A_565, %parallel_loop3A_566, %parallel_loop3A_567] {strides = array<i32>} : memref<2x24x768xf32, #tpu.memory_space<vmem>>, vector<1x1x16xf32>,
        %parallel_loop3A_569 = vector.shape_cast %parallel_loop3A_568 : vector<1x1x16xf32> to vector<16xf32>
        %parallel_loop3A_570 = vector.shape_cast %parallel_loop3A_564 : vector<16xf32> to vector<1x1x16xf32>
        tpu.vector_store %arg7[%parallel_loop3A_565, %parallel_loop3A_566, %parallel_loop3A_567], %parallel_loop3A_570 {strides = array<i32>} : memref<2x24x768xf32, #tpu.memory_space<vmem>>, vector<1x1x16xf32>,
        %parallel_loop3A_571 = arith.index_cast %rem3A_95 : i32 to index
        %parallel_loop3A_572 = arith.index_cast %parallel_loop3A_162 : i32 to index
        %parallel_loop3A_573 = arith.constant 384 : index
        %parallel_loop3A_574 = tpu.vector_load %arg6[%parallel_loop3A_571, %parallel_loop3A_572, %parallel_loop3A_573] {strides = array<i32>} : memref<2x24x768xf32, #tpu.memory_space<vmem>>, vector<1x1x16xf32>,
        %parallel_loop3A_575 = vector.shape_cast %parallel_loop3A_574 : vector<1x1x16xf32> to vector<16xf32>
        %parallel_loop3A_576 = arith.addi %mul3A_135, %parallel_loop3A_162 : i32
        %parallel_loop3A_577 = arith.index_cast %parallel_loop3A_576 : i32 to index
        %parallel_loop3A_578 = arith.constant 384 : index
        %parallel_loop3A_579 = tpu.vector_load %arg5[%parallel_loop3A_577, %parallel_loop3A_578] {strides = array<i32>} : memref<72x768xf32, #tpu.memory_space<vmem>>, vector<1x16xf32>,
        %parallel_loop3A_580 = vector.shape_cast %parallel_loop3A_579 : vector<1x16xf32> to vector<16xf32>
        %parallel_loop3A_581 = arith.addf %parallel_loop3A_575, %parallel_loop3A_580 : vector<16xf32>
        %parallel_loop3A_582 = arith.index_cast %rem3A_95 : i32 to index
        %parallel_loop3A_583 = arith.index_cast %parallel_loop3A_162 : i32 to index
        %parallel_loop3A_584 = arith.constant 384 : index
        %parallel_loop3A_585 = tpu.vector_load %arg7[%parallel_loop3A_582, %parallel_loop3A_583, %parallel_loop3A_584] {strides = array<i32>} : memref<2x24x768xf32, #tpu.memory_space<vmem>>, vector<1x1x16xf32>,
        %parallel_loop3A_586 = vector.shape_cast %parallel_loop3A_585 : vector<1x1x16xf32> to vector<16xf32>
        %parallel_loop3A_587 = vector.shape_cast %parallel_loop3A_581 : vector<16xf32> to vector<1x1x16xf32>
        tpu.vector_store %arg7[%parallel_loop3A_582, %parallel_loop3A_583, %parallel_loop3A_584], %parallel_loop3A_587 {strides = array<i32>} : memref<2x24x768xf32, #tpu.memory_space<vmem>>, vector<1x1x16xf32>,
        %parallel_loop3A_588 = arith.index_cast %rem3A_95 : i32 to index
        %parallel_loop3A_589 = arith.index_cast %parallel_loop3A_162 : i32 to index
        %parallel_loop3A_590 = arith.constant 400 : index
        %parallel_loop3A_591 = tpu.vector_load %arg6[%parallel_loop3A_588, %parallel_loop3A_589, %parallel_loop3A_590] {strides = array<i32>} : memref<2x24x768xf32, #tpu.memory_space<vmem>>, vector<1x1x16xf32>,
        %parallel_loop3A_592 = vector.shape_cast %parallel_loop3A_591 : vector<1x1x16xf32> to vector<16xf32>
        %parallel_loop3A_593 = arith.addi %mul3A_135, %parallel_loop3A_162 : i32
        %parallel_loop3A_594 = arith.index_cast %parallel_loop3A_593 : i32 to index
        %parallel_loop3A_595 = arith.constant 400 : index
        %parallel_loop3A_596 = tpu.vector_load %arg5[%parallel_loop3A_594, %parallel_loop3A_595] {strides = array<i32>} : memref<72x768xf32, #tpu.memory_space<vmem>>, vector<1x16xf32>,
        %parallel_loop3A_597 = vector.shape_cast %parallel_loop3A_596 : vector<1x16xf32> to vector<16xf32>
        %parallel_loop3A_598 = arith.addf %parallel_loop3A_592, %parallel_loop3A_597 : vector<16xf32>
        %parallel_loop3A_599 = arith.index_cast %rem3A_95 : i32 to index
        %parallel_loop3A_600 = arith.index_cast %parallel_loop3A_162 : i32 to index
        %parallel_loop3A_601 = arith.constant 400 : index
        %parallel_loop3A_602 = tpu.vector_load %arg7[%parallel_loop3A_599, %parallel_loop3A_600, %parallel_loop3A_601] {strides = array<i32>} : memref<2x24x768xf32, #tpu.memory_space<vmem>>, vector<1x1x16xf32>,
        %parallel_loop3A_603 = vector.shape_cast %parallel_loop3A_602 : vector<1x1x16xf32> to vector<16xf32>
        %parallel_loop3A_604 = vector.shape_cast %parallel_loop3A_598 : vector<16xf32> to vector<1x1x16xf32>
        tpu.vector_store %arg7[%parallel_loop3A_599, %parallel_loop3A_600, %parallel_loop3A_601], %parallel_loop3A_604 {strides = array<i32>} : memref<2x24x768xf32, #tpu.memory_space<vmem>>, vector<1x1x16xf32>,
        %parallel_loop3A_605 = arith.index_cast %rem3A_95 : i32 to index
        %parallel_loop3A_606 = arith.index_cast %parallel_loop3A_162 : i32 to index
        %parallel_loop3A_607 = arith.constant 416 : index
        %parallel_loop3A_608 = tpu.vector_load %arg6[%parallel_loop3A_605, %parallel_loop3A_606, %parallel_loop3A_607] {strides = array<i32>} : memref<2x24x768xf32, #tpu.memory_space<vmem>>, vector<1x1x16xf32>,
        %parallel_loop3A_609 = vector.shape_cast %parallel_loop3A_608 : vector<1x1x16xf32> to vector<16xf32>
        %parallel_loop3A_610 = arith.addi %mul3A_135, %parallel_loop3A_162 : i32
        %parallel_loop3A_611 = arith.index_cast %parallel_loop3A_610 : i32 to index
        %parallel_loop3A_612 = arith.constant 416 : index
        %parallel_loop3A_613 = tpu.vector_load %arg5[%parallel_loop3A_611, %parallel_loop3A_612] {strides = array<i32>} : memref<72x768xf32, #tpu.memory_space<vmem>>, vector<1x16xf32>,
        %parallel_loop3A_614 = vector.shape_cast %parallel_loop3A_613 : vector<1x16xf32> to vector<16xf32>
        %parallel_loop3A_615 = arith.addf %parallel_loop3A_609, %parallel_loop3A_614 : vector<16xf32>
        %parallel_loop3A_616 = arith.index_cast %rem3A_95 : i32 to index
        %parallel_loop3A_617 = arith.index_cast %parallel_loop3A_162 : i32 to index
        %parallel_loop3A_618 = arith.constant 416 : index
        %parallel_loop3A_619 = tpu.vector_load %arg7[%parallel_loop3A_616, %parallel_loop3A_617, %parallel_loop3A_618] {strides = array<i32>} : memref<2x24x768xf32, #tpu.memory_space<vmem>>, vector<1x1x16xf32>,
        %parallel_loop3A_620 = vector.shape_cast %parallel_loop3A_619 : vector<1x1x16xf32> to vector<16xf32>
        %parallel_loop3A_621 = vector.shape_cast %parallel_loop3A_615 : vector<16xf32> to vector<1x1x16xf32>
        tpu.vector_store %arg7[%parallel_loop3A_616, %parallel_loop3A_617, %parallel_loop3A_618], %parallel_loop3A_621 {strides = array<i32>} : memref<2x24x768xf32, #tpu.memory_space<vmem>>, vector<1x1x16xf32>,
        %parallel_loop3A_622 = arith.index_cast %rem3A_95 : i32 to index
        %parallel_loop3A_623 = arith.index_cast %parallel_loop3A_162 : i32 to index
        %parallel_loop3A_624 = arith.constant 432 : index
        %parallel_loop3A_625 = tpu.vector_load %arg6[%parallel_loop3A_622, %parallel_loop3A_623, %parallel_loop3A_624] {strides = array<i32>} : memref<2x24x768xf32, #tpu.memory_space<vmem>>, vector<1x1x16xf32>,
        %parallel_loop3A_626 = vector.shape_cast %parallel_loop3A_625 : vector<1x1x16xf32> to vector<16xf32>
        %parallel_loop3A_627 = arith.addi %mul3A_135, %parallel_loop3A_162 : i32
        %parallel_loop3A_628 = arith.index_cast %parallel_loop3A_627 : i32 to index
        %parallel_loop3A_629 = arith.constant 432 : index
        %parallel_loop3A_630 = tpu.vector_load %arg5[%parallel_loop3A_628, %parallel_loop3A_629] {strides = array<i32>} : memref<72x768xf32, #tpu.memory_space<vmem>>, vector<1x16xf32>,
        %parallel_loop3A_631 = vector.shape_cast %parallel_loop3A_630 : vector<1x16xf32> to vector<16xf32>
        %parallel_loop3A_632 = arith.addf %parallel_loop3A_626, %parallel_loop3A_631 : vector<16xf32>
        %parallel_loop3A_633 = arith.index_cast %rem3A_95 : i32 to index
        %parallel_loop3A_634 = arith.index_cast %parallel_loop3A_162 : i32 to index
        %parallel_loop3A_635 = arith.constant 432 : index
        %parallel_loop3A_636 = tpu.vector_load %arg7[%parallel_loop3A_633, %parallel_loop3A_634, %parallel_loop3A_635] {strides = array<i32>} : memref<2x24x768xf32, #tpu.memory_space<vmem>>, vector<1x1x16xf32>,
        %parallel_loop3A_637 = vector.shape_cast %parallel_loop3A_636 : vector<1x1x16xf32> to vector<16xf32>
        %parallel_loop3A_638 = vector.shape_cast %parallel_loop3A_632 : vector<16xf32> to vector<1x1x16xf32>
        tpu.vector_store %arg7[%parallel_loop3A_633, %parallel_loop3A_634, %parallel_loop3A_635], %parallel_loop3A_638 {strides = array<i32>} : memref<2x24x768xf32, #tpu.memory_space<vmem>>, vector<1x1x16xf32>,
        %parallel_loop3A_639 = arith.index_cast %rem3A_95 : i32 to index
        %parallel_loop3A_640 = arith.index_cast %parallel_loop3A_162 : i32 to index
        %parallel_loop3A_641 = arith.constant 448 : index
        %parallel_loop3A_642 = tpu.vector_load %arg6[%parallel_loop3A_639, %parallel_loop3A_640, %parallel_loop3A_641] {strides = array<i32>} : memref<2x24x768xf32, #tpu.memory_space<vmem>>, vector<1x1x16xf32>,
        %parallel_loop3A_643 = vector.shape_cast %parallel_loop3A_642 : vector<1x1x16xf32> to vector<16xf32>
        %parallel_loop3A_644 = arith.addi %mul3A_135, %parallel_loop3A_162 : i32
        %parallel_loop3A_645 = arith.index_cast %parallel_loop3A_644 : i32 to index
        %parallel_loop3A_646 = arith.constant 448 : index
        %parallel_loop3A_647 = tpu.vector_load %arg5[%parallel_loop3A_645, %parallel_loop3A_646] {strides = array<i32>} : memref<72x768xf32, #tpu.memory_space<vmem>>, vector<1x16xf32>,
        %parallel_loop3A_648 = vector.shape_cast %parallel_loop3A_647 : vector<1x16xf32> to vector<16xf32>
        %parallel_loop3A_649 = arith.addf %parallel_loop3A_643, %parallel_loop3A_648 : vector<16xf32>
        %parallel_loop3A_650 = arith.index_cast %rem3A_95 : i32 to index
        %parallel_loop3A_651 = arith.index_cast %parallel_loop3A_162 : i32 to index
        %parallel_loop3A_652 = arith.constant 448 : index
        %parallel_loop3A_653 = tpu.vector_load %arg7[%parallel_loop3A_650, %parallel_loop3A_651, %parallel_loop3A_652] {strides = array<i32>} : memref<2x24x768xf32, #tpu.memory_space<vmem>>, vector<1x1x16xf32>,
        %parallel_loop3A_654 = vector.shape_cast %parallel_loop3A_653 : vector<1x1x16xf32> to vector<16xf32>
        %parallel_loop3A_655 = vector.shape_cast %parallel_loop3A_649 : vector<16xf32> to vector<1x1x16xf32>
        tpu.vector_store %arg7[%parallel_loop3A_650, %parallel_loop3A_651, %parallel_loop3A_652], %parallel_loop3A_655 {strides = array<i32>} : memref<2x24x768xf32, #tpu.memory_space<vmem>>, vector<1x1x16xf32>,
        %parallel_loop3A_656 = arith.index_cast %rem3A_95 : i32 to index
        %parallel_loop3A_657 = arith.index_cast %parallel_loop3A_162 : i32 to index
        %parallel_loop3A_658 = arith.constant 464 : index
        %parallel_loop3A_659 = tpu.vector_load %arg6[%parallel_loop3A_656, %parallel_loop3A_657, %parallel_loop3A_658] {strides = array<i32>} : memref<2x24x768xf32, #tpu.memory_space<vmem>>, vector<1x1x16xf32>,
        %parallel_loop3A_660 = vector.shape_cast %parallel_loop3A_659 : vector<1x1x16xf32> to vector<16xf32>
        %parallel_loop3A_661 = arith.addi %mul3A_135, %parallel_loop3A_162 : i32
        %parallel_loop3A_662 = arith.index_cast %parallel_loop3A_661 : i32 to index
        %parallel_loop3A_663 = arith.constant 464 : index
        %parallel_loop3A_664 = tpu.vector_load %arg5[%parallel_loop3A_662, %parallel_loop3A_663] {strides = array<i32>} : memref<72x768xf32, #tpu.memory_space<vmem>>, vector<1x16xf32>,
        %parallel_loop3A_665 = vector.shape_cast %parallel_loop3A_664 : vector<1x16xf32> to vector<16xf32>
        %parallel_loop3A_666 = arith.addf %parallel_loop3A_660, %parallel_loop3A_665 : vector<16xf32>
        %parallel_loop3A_667 = arith.index_cast %rem3A_95 : i32 to index
        %parallel_loop3A_668 = arith.index_cast %parallel_loop3A_162 : i32 to index
        %parallel_loop3A_669 = arith.constant 464 : index
        %parallel_loop3A_670 = tpu.vector_load %arg7[%parallel_loop3A_667, %parallel_loop3A_668, %parallel_loop3A_669] {strides = array<i32>} : memref<2x24x768xf32, #tpu.memory_space<vmem>>, vector<1x1x16xf32>,
        %parallel_loop3A_671 = vector.shape_cast %parallel_loop3A_670 : vector<1x1x16xf32> to vector<16xf32>
        %parallel_loop3A_672 = vector.shape_cast %parallel_loop3A_666 : vector<16xf32> to vector<1x1x16xf32>
        tpu.vector_store %arg7[%parallel_loop3A_667, %parallel_loop3A_668, %parallel_loop3A_669], %parallel_loop3A_672 {strides = array<i32>} : memref<2x24x768xf32, #tpu.memory_space<vmem>>, vector<1x1x16xf32>,
        %parallel_loop3A_673 = arith.index_cast %rem3A_95 : i32 to index
        %parallel_loop3A_674 = arith.index_cast %parallel_loop3A_162 : i32 to index
        %parallel_loop3A_675 = arith.constant 480 : index
        %parallel_loop3A_676 = tpu.vector_load %arg6[%parallel_loop3A_673, %parallel_loop3A_674, %parallel_loop3A_675] {strides = array<i32>} : memref<2x24x768xf32, #tpu.memory_space<vmem>>, vector<1x1x16xf32>,
        %parallel_loop3A_677 = vector.shape_cast %parallel_loop3A_676 : vector<1x1x16xf32> to vector<16xf32>
        %parallel_loop3A_678 = arith.addi %mul3A_135, %parallel_loop3A_162 : i32
        %parallel_loop3A_679 = arith.index_cast %parallel_loop3A_678 : i32 to index
        %parallel_loop3A_680 = arith.constant 480 : index
        %parallel_loop3A_681 = tpu.vector_load %arg5[%parallel_loop3A_679, %parallel_loop3A_680] {strides = array<i32>} : memref<72x768xf32, #tpu.memory_space<vmem>>, vector<1x16xf32>,
        %parallel_loop3A_682 = vector.shape_cast %parallel_loop3A_681 : vector<1x16xf32> to vector<16xf32>
        %parallel_loop3A_683 = arith.addf %parallel_loop3A_677, %parallel_loop3A_682 : vector<16xf32>
        %parallel_loop3A_684 = arith.index_cast %rem3A_95 : i32 to index
        %parallel_loop3A_685 = arith.index_cast %parallel_loop3A_162 : i32 to index
        %parallel_loop3A_686 = arith.constant 480 : index
        %parallel_loop3A_687 = tpu.vector_load %arg7[%parallel_loop3A_684, %parallel_loop3A_685, %parallel_loop3A_686] {strides = array<i32>} : memref<2x24x768xf32, #tpu.memory_space<vmem>>, vector<1x1x16xf32>,
        %parallel_loop3A_688 = vector.shape_cast %parallel_loop3A_687 : vector<1x1x16xf32> to vector<16xf32>
        %parallel_loop3A_689 = vector.shape_cast %parallel_loop3A_683 : vector<16xf32> to vector<1x1x16xf32>
        tpu.vector_store %arg7[%parallel_loop3A_684, %parallel_loop3A_685, %parallel_loop3A_686], %parallel_loop3A_689 {strides = array<i32>} : memref<2x24x768xf32, #tpu.memory_space<vmem>>, vector<1x1x16xf32>,
        %parallel_loop3A_690 = arith.index_cast %rem3A_95 : i32 to index
        %parallel_loop3A_691 = arith.index_cast %parallel_loop3A_162 : i32 to index
        %parallel_loop3A_692 = arith.constant 496 : index
        %parallel_loop3A_693 = tpu.vector_load %arg6[%parallel_loop3A_690, %parallel_loop3A_691, %parallel_loop3A_692] {strides = array<i32>} : memref<2x24x768xf32, #tpu.memory_space<vmem>>, vector<1x1x16xf32>,
        %parallel_loop3A_694 = vector.shape_cast %parallel_loop3A_693 : vector<1x1x16xf32> to vector<16xf32>
        %parallel_loop3A_695 = arith.addi %mul3A_135, %parallel_loop3A_162 : i32
        %parallel_loop3A_696 = arith.index_cast %parallel_loop3A_695 : i32 to index
        %parallel_loop3A_697 = arith.constant 496 : index
        %parallel_loop3A_698 = tpu.vector_load %arg5[%parallel_loop3A_696, %parallel_loop3A_697] {strides = array<i32>} : memref<72x768xf32, #tpu.memory_space<vmem>>, vector<1x16xf32>,
        %parallel_loop3A_699 = vector.shape_cast %parallel_loop3A_698 : vector<1x16xf32> to vector<16xf32>
        %parallel_loop3A_700 = arith.addf %parallel_loop3A_694, %parallel_loop3A_699 : vector<16xf32>
        %parallel_loop3A_701 = arith.index_cast %rem3A_95 : i32 to index
        %parallel_loop3A_702 = arith.index_cast %parallel_loop3A_162 : i32 to index
        %parallel_loop3A_703 = arith.constant 496 : index
        %parallel_loop3A_704 = tpu.vector_load %arg7[%parallel_loop3A_701, %parallel_loop3A_702, %parallel_loop3A_703] {strides = array<i32>} : memref<2x24x768xf32, #tpu.memory_space<vmem>>, vector<1x1x16xf32>,
        %parallel_loop3A_705 = vector.shape_cast %parallel_loop3A_704 : vector<1x1x16xf32> to vector<16xf32>
        %parallel_loop3A_706 = vector.shape_cast %parallel_loop3A_700 : vector<16xf32> to vector<1x1x16xf32>
        tpu.vector_store %arg7[%parallel_loop3A_701, %parallel_loop3A_702, %parallel_loop3A_703], %parallel_loop3A_706 {strides = array<i32>} : memref<2x24x768xf32, #tpu.memory_space<vmem>>, vector<1x1x16xf32>,
        %parallel_loop3A_707 = arith.index_cast %rem3A_95 : i32 to index
        %parallel_loop3A_708 = arith.index_cast %parallel_loop3A_162 : i32 to index
        %parallel_loop3A_709 = arith.constant 512 : index
        %parallel_loop3A_710 = tpu.vector_load %arg6[%parallel_loop3A_707, %parallel_loop3A_708, %parallel_loop3A_709] {strides = array<i32>} : memref<2x24x768xf32, #tpu.memory_space<vmem>>, vector<1x1x16xf32>,
        %parallel_loop3A_711 = vector.shape_cast %parallel_loop3A_710 : vector<1x1x16xf32> to vector<16xf32>
        %parallel_loop3A_712 = arith.addi %mul3A_135, %parallel_loop3A_162 : i32
        %parallel_loop3A_713 = arith.index_cast %parallel_loop3A_712 : i32 to index
        %parallel_loop3A_714 = arith.constant 512 : index
        %parallel_loop3A_715 = tpu.vector_load %arg5[%parallel_loop3A_713, %parallel_loop3A_714] {strides = array<i32>} : memref<72x768xf32, #tpu.memory_space<vmem>>, vector<1x16xf32>,
        %parallel_loop3A_716 = vector.shape_cast %parallel_loop3A_715 : vector<1x16xf32> to vector<16xf32>
        %parallel_loop3A_717 = arith.addf %parallel_loop3A_711, %parallel_loop3A_716 : vector<16xf32>
        %parallel_loop3A_718 = arith.index_cast %rem3A_95 : i32 to index
        %parallel_loop3A_719 = arith.index_cast %parallel_loop3A_162 : i32 to index
        %parallel_loop3A_720 = arith.constant 512 : index
        %parallel_loop3A_721 = tpu.vector_load %arg7[%parallel_loop3A_718, %parallel_loop3A_719, %parallel_loop3A_720] {strides = array<i32>} : memref<2x24x768xf32, #tpu.memory_space<vmem>>, vector<1x1x16xf32>,
        %parallel_loop3A_722 = vector.shape_cast %parallel_loop3A_721 : vector<1x1x16xf32> to vector<16xf32>
        %parallel_loop3A_723 = vector.shape_cast %parallel_loop3A_717 : vector<16xf32> to vector<1x1x16xf32>
        tpu.vector_store %arg7[%parallel_loop3A_718, %parallel_loop3A_719, %parallel_loop3A_720], %parallel_loop3A_723 {strides = array<i32>} : memref<2x24x768xf32, #tpu.memory_space<vmem>>, vector<1x1x16xf32>,
        %parallel_loop3A_724 = arith.index_cast %rem3A_95 : i32 to index
        %parallel_loop3A_725 = arith.index_cast %parallel_loop3A_162 : i32 to index
        %parallel_loop3A_726 = arith.constant 528 : index
        %parallel_loop3A_727 = tpu.vector_load %arg6[%parallel_loop3A_724, %parallel_loop3A_725, %parallel_loop3A_726] {strides = array<i32>} : memref<2x24x768xf32, #tpu.memory_space<vmem>>, vector<1x1x16xf32>,
        %parallel_loop3A_728 = vector.shape_cast %parallel_loop3A_727 : vector<1x1x16xf32> to vector<16xf32>
        %parallel_loop3A_729 = arith.addi %mul3A_135, %parallel_loop3A_162 : i32
        %parallel_loop3A_730 = arith.index_cast %parallel_loop3A_729 : i32 to index
        %parallel_loop3A_731 = arith.constant 528 : index
        %parallel_loop3A_732 = tpu.vector_load %arg5[%parallel_loop3A_730, %parallel_loop3A_731] {strides = array<i32>} : memref<72x768xf32, #tpu.memory_space<vmem>>, vector<1x16xf32>,
        %parallel_loop3A_733 = vector.shape_cast %parallel_loop3A_732 : vector<1x16xf32> to vector<16xf32>
        %parallel_loop3A_734 = arith.addf %parallel_loop3A_728, %parallel_loop3A_733 : vector<16xf32>
        %parallel_loop3A_735 = arith.index_cast %rem3A_95 : i32 to index
        %parallel_loop3A_736 = arith.index_cast %parallel_loop3A_162 : i32 to index
        %parallel_loop3A_737 = arith.constant 528 : index
        %parallel_loop3A_738 = tpu.vector_load %arg7[%parallel_loop3A_735, %parallel_loop3A_736, %parallel_loop3A_737] {strides = array<i32>} : memref<2x24x768xf32, #tpu.memory_space<vmem>>, vector<1x1x16xf32>,
        %parallel_loop3A_739 = vector.shape_cast %parallel_loop3A_738 : vector<1x1x16xf32> to vector<16xf32>
        %parallel_loop3A_740 = vector.shape_cast %parallel_loop3A_734 : vector<16xf32> to vector<1x1x16xf32>
        tpu.vector_store %arg7[%parallel_loop3A_735, %parallel_loop3A_736, %parallel_loop3A_737], %parallel_loop3A_740 {strides = array<i32>} : memref<2x24x768xf32, #tpu.memory_space<vmem>>, vector<1x1x16xf32>,
        %parallel_loop3A_741 = arith.index_cast %rem3A_95 : i32 to index
        %parallel_loop3A_742 = arith.index_cast %parallel_loop3A_162 : i32 to index
        %parallel_loop3A_743 = arith.constant 544 : index
        %parallel_loop3A_744 = tpu.vector_load %arg6[%parallel_loop3A_741, %parallel_loop3A_742, %parallel_loop3A_743] {strides = array<i32>} : memref<2x24x768xf32, #tpu.memory_space<vmem>>, vector<1x1x16xf32>,
        %parallel_loop3A_745 = vector.shape_cast %parallel_loop3A_744 : vector<1x1x16xf32> to vector<16xf32>
        %parallel_loop3A_746 = arith.addi %mul3A_135, %parallel_loop3A_162 : i32
        %parallel_loop3A_747 = arith.index_cast %parallel_loop3A_746 : i32 to index
        %parallel_loop3A_748 = arith.constant 544 : index
        %parallel_loop3A_749 = tpu.vector_load %arg5[%parallel_loop3A_747, %parallel_loop3A_748] {strides = array<i32>} : memref<72x768xf32, #tpu.memory_space<vmem>>, vector<1x16xf32>,
        %parallel_loop3A_750 = vector.shape_cast %parallel_loop3A_749 : vector<1x16xf32> to vector<16xf32>
        %parallel_loop3A_751 = arith.addf %parallel_loop3A_745, %parallel_loop3A_750 : vector<16xf32>
        %parallel_loop3A_752 = arith.index_cast %rem3A_95 : i32 to index
        %parallel_loop3A_753 = arith.index_cast %parallel_loop3A_162 : i32 to index
        %parallel_loop3A_754 = arith.constant 544 : index
        %parallel_loop3A_755 = tpu.vector_load %arg7[%parallel_loop3A_752, %parallel_loop3A_753, %parallel_loop3A_754] {strides = array<i32>} : memref<2x24x768xf32, #tpu.memory_space<vmem>>, vector<1x1x16xf32>,
        %parallel_loop3A_756 = vector.shape_cast %parallel_loop3A_755 : vector<1x1x16xf32> to vector<16xf32>
        %parallel_loop3A_757 = vector.shape_cast %parallel_loop3A_751 : vector<16xf32> to vector<1x1x16xf32>
        tpu.vector_store %arg7[%parallel_loop3A_752, %parallel_loop3A_753, %parallel_loop3A_754], %parallel_loop3A_757 {strides = array<i32>} : memref<2x24x768xf32, #tpu.memory_space<vmem>>, vector<1x1x16xf32>,
        %parallel_loop3A_758 = arith.index_cast %rem3A_95 : i32 to index
        %parallel_loop3A_759 = arith.index_cast %parallel_loop3A_162 : i32 to index
        %parallel_loop3A_760 = arith.constant 560 : index
        %parallel_loop3A_761 = tpu.vector_load %arg6[%parallel_loop3A_758, %parallel_loop3A_759, %parallel_loop3A_760] {strides = array<i32>} : memref<2x24x768xf32, #tpu.memory_space<vmem>>, vector<1x1x16xf32>,
        %parallel_loop3A_762 = vector.shape_cast %parallel_loop3A_761 : vector<1x1x16xf32> to vector<16xf32>
        %parallel_loop3A_763 = arith.addi %mul3A_135, %parallel_loop3A_162 : i32
        %parallel_loop3A_764 = arith.index_cast %parallel_loop3A_763 : i32 to index
        %parallel_loop3A_765 = arith.constant 560 : index
        %parallel_loop3A_766 = tpu.vector_load %arg5[%parallel_loop3A_764, %parallel_loop3A_765] {strides = array<i32>} : memref<72x768xf32, #tpu.memory_space<vmem>>, vector<1x16xf32>,
        %parallel_loop3A_767 = vector.shape_cast %parallel_loop3A_766 : vector<1x16xf32> to vector<16xf32>
        %parallel_loop3A_768 = arith.addf %parallel_loop3A_762, %parallel_loop3A_767 : vector<16xf32>
        %parallel_loop3A_769 = arith.index_cast %rem3A_95 : i32 to index
        %parallel_loop3A_770 = arith.index_cast %parallel_loop3A_162 : i32 to index
        %parallel_loop3A_771 = arith.constant 560 : index
        %parallel_loop3A_772 = tpu.vector_load %arg7[%parallel_loop3A_769, %parallel_loop3A_770, %parallel_loop3A_771] {strides = array<i32>} : memref<2x24x768xf32, #tpu.memory_space<vmem>>, vector<1x1x16xf32>,
        %parallel_loop3A_773 = vector.shape_cast %parallel_loop3A_772 : vector<1x1x16xf32> to vector<16xf32>
        %parallel_loop3A_774 = vector.shape_cast %parallel_loop3A_768 : vector<16xf32> to vector<1x1x16xf32>
        tpu.vector_store %arg7[%parallel_loop3A_769, %parallel_loop3A_770, %parallel_loop3A_771], %parallel_loop3A_774 {strides = array<i32>} : memref<2x24x768xf32, #tpu.memory_space<vmem>>, vector<1x1x16xf32>,
        %parallel_loop3A_775 = arith.index_cast %rem3A_95 : i32 to index
        %parallel_loop3A_776 = arith.index_cast %parallel_loop3A_162 : i32 to index
        %parallel_loop3A_777 = arith.constant 576 : index
        %parallel_loop3A_778 = tpu.vector_load %arg6[%parallel_loop3A_775, %parallel_loop3A_776, %parallel_loop3A_777] {strides = array<i32>} : memref<2x24x768xf32, #tpu.memory_space<vmem>>, vector<1x1x16xf32>,
        %parallel_loop3A_779 = vector.shape_cast %parallel_loop3A_778 : vector<1x1x16xf32> to vector<16xf32>
        %parallel_loop3A_780 = arith.addi %mul3A_135, %parallel_loop3A_162 : i32
        %parallel_loop3A_781 = arith.index_cast %parallel_loop3A_780 : i32 to index
        %parallel_loop3A_782 = arith.constant 576 : index
        %parallel_loop3A_783 = tpu.vector_load %arg5[%parallel_loop3A_781, %parallel_loop3A_782] {strides = array<i32>} : memref<72x768xf32, #tpu.memory_space<vmem>>, vector<1x16xf32>,
        %parallel_loop3A_784 = vector.shape_cast %parallel_loop3A_783 : vector<1x16xf32> to vector<16xf32>
        %parallel_loop3A_785 = arith.addf %parallel_loop3A_779, %parallel_loop3A_784 : vector<16xf32>
        %parallel_loop3A_786 = arith.index_cast %rem3A_95 : i32 to index
        %parallel_loop3A_787 = arith.index_cast %parallel_loop3A_162 : i32 to index
        %parallel_loop3A_788 = arith.constant 576 : index
        %parallel_loop3A_789 = tpu.vector_load %arg7[%parallel_loop3A_786, %parallel_loop3A_787, %parallel_loop3A_788] {strides = array<i32>} : memref<2x24x768xf32, #tpu.memory_space<vmem>>, vector<1x1x16xf32>,
        %parallel_loop3A_790 = vector.shape_cast %parallel_loop3A_789 : vector<1x1x16xf32> to vector<16xf32>
        %parallel_loop3A_791 = vector.shape_cast %parallel_loop3A_785 : vector<16xf32> to vector<1x1x16xf32>
        tpu.vector_store %arg7[%parallel_loop3A_786, %parallel_loop3A_787, %parallel_loop3A_788], %parallel_loop3A_791 {strides = array<i32>} : memref<2x24x768xf32, #tpu.memory_space<vmem>>, vector<1x1x16xf32>,
        %parallel_loop3A_792 = arith.index_cast %rem3A_95 : i32 to index
        %parallel_loop3A_793 = arith.index_cast %parallel_loop3A_162 : i32 to index
        %parallel_loop3A_794 = arith.constant 592 : index
        %parallel_loop3A_795 = tpu.vector_load %arg6[%parallel_loop3A_792, %parallel_loop3A_793, %parallel_loop3A_794] {strides = array<i32>} : memref<2x24x768xf32, #tpu.memory_space<vmem>>, vector<1x1x16xf32>,
        %parallel_loop3A_796 = vector.shape_cast %parallel_loop3A_795 : vector<1x1x16xf32> to vector<16xf32>
        %parallel_loop3A_797 = arith.addi %mul3A_135, %parallel_loop3A_162 : i32
        %parallel_loop3A_798 = arith.index_cast %parallel_loop3A_797 : i32 to index
        %parallel_loop3A_799 = arith.constant 592 : index
        %parallel_loop3A_800 = tpu.vector_load %arg5[%parallel_loop3A_798, %parallel_loop3A_799] {strides = array<i32>} : memref<72x768xf32, #tpu.memory_space<vmem>>, vector<1x16xf32>,
        %parallel_loop3A_801 = vector.shape_cast %parallel_loop3A_800 : vector<1x16xf32> to vector<16xf32>
        %parallel_loop3A_802 = arith.addf %parallel_loop3A_796, %parallel_loop3A_801 : vector<16xf32>
        %parallel_loop3A_803 = arith.index_cast %rem3A_95 : i32 to index
        %parallel_loop3A_804 = arith.index_cast %parallel_loop3A_162 : i32 to index
        %parallel_loop3A_805 = arith.constant 592 : index
        %parallel_loop3A_806 = tpu.vector_load %arg7[%parallel_loop3A_803, %parallel_loop3A_804, %parallel_loop3A_805] {strides = array<i32>} : memref<2x24x768xf32, #tpu.memory_space<vmem>>, vector<1x1x16xf32>,
        %parallel_loop3A_807 = vector.shape_cast %parallel_loop3A_806 : vector<1x1x16xf32> to vector<16xf32>
        %parallel_loop3A_808 = vector.shape_cast %parallel_loop3A_802 : vector<16xf32> to vector<1x1x16xf32>
        tpu.vector_store %arg7[%parallel_loop3A_803, %parallel_loop3A_804, %parallel_loop3A_805], %parallel_loop3A_808 {strides = array<i32>} : memref<2x24x768xf32, #tpu.memory_space<vmem>>, vector<1x1x16xf32>,
        %parallel_loop3A_809 = arith.index_cast %rem3A_95 : i32 to index
        %parallel_loop3A_810 = arith.index_cast %parallel_loop3A_162 : i32 to index
        %parallel_loop3A_811 = arith.constant 608 : index
        %parallel_loop3A_812 = tpu.vector_load %arg6[%parallel_loop3A_809, %parallel_loop3A_810, %parallel_loop3A_811] {strides = array<i32>} : memref<2x24x768xf32, #tpu.memory_space<vmem>>, vector<1x1x16xf32>,
        %parallel_loop3A_813 = vector.shape_cast %parallel_loop3A_812 : vector<1x1x16xf32> to vector<16xf32>
        %parallel_loop3A_814 = arith.addi %mul3A_135, %parallel_loop3A_162 : i32
        %parallel_loop3A_815 = arith.index_cast %parallel_loop3A_814 : i32 to index
        %parallel_loop3A_816 = arith.constant 608 : index
        %parallel_loop3A_817 = tpu.vector_load %arg5[%parallel_loop3A_815, %parallel_loop3A_816] {strides = array<i32>} : memref<72x768xf32, #tpu.memory_space<vmem>>, vector<1x16xf32>,
        %parallel_loop3A_818 = vector.shape_cast %parallel_loop3A_817 : vector<1x16xf32> to vector<16xf32>
        %parallel_loop3A_819 = arith.addf %parallel_loop3A_813, %parallel_loop3A_818 : vector<16xf32>
        %parallel_loop3A_820 = arith.index_cast %rem3A_95 : i32 to index
        %parallel_loop3A_821 = arith.index_cast %parallel_loop3A_162 : i32 to index
        %parallel_loop3A_822 = arith.constant 608 : index
        %parallel_loop3A_823 = tpu.vector_load %arg7[%parallel_loop3A_820, %parallel_loop3A_821, %parallel_loop3A_822] {strides = array<i32>} : memref<2x24x768xf32, #tpu.memory_space<vmem>>, vector<1x1x16xf32>,
        %parallel_loop3A_824 = vector.shape_cast %parallel_loop3A_823 : vector<1x1x16xf32> to vector<16xf32>
        %parallel_loop3A_825 = vector.shape_cast %parallel_loop3A_819 : vector<16xf32> to vector<1x1x16xf32>
        tpu.vector_store %arg7[%parallel_loop3A_820, %parallel_loop3A_821, %parallel_loop3A_822], %parallel_loop3A_825 {strides = array<i32>} : memref<2x24x768xf32, #tpu.memory_space<vmem>>, vector<1x1x16xf32>,
        %parallel_loop3A_826 = arith.index_cast %rem3A_95 : i32 to index
        %parallel_loop3A_827 = arith.index_cast %parallel_loop3A_162 : i32 to index
        %parallel_loop3A_828 = arith.constant 624 : index
        %parallel_loop3A_829 = tpu.vector_load %arg6[%parallel_loop3A_826, %parallel_loop3A_827, %parallel_loop3A_828] {strides = array<i32>} : memref<2x24x768xf32, #tpu.memory_space<vmem>>, vector<1x1x16xf32>,
        %parallel_loop3A_830 = vector.shape_cast %parallel_loop3A_829 : vector<1x1x16xf32> to vector<16xf32>
        %parallel_loop3A_831 = arith.addi %mul3A_135, %parallel_loop3A_162 : i32
        %parallel_loop3A_832 = arith.index_cast %parallel_loop3A_831 : i32 to index
        %parallel_loop3A_833 = arith.constant 624 : index
        %parallel_loop3A_834 = tpu.vector_load %arg5[%parallel_loop3A_832, %parallel_loop3A_833] {strides = array<i32>} : memref<72x768xf32, #tpu.memory_space<vmem>>, vector<1x16xf32>,
        %parallel_loop3A_835 = vector.shape_cast %parallel_loop3A_834 : vector<1x16xf32> to vector<16xf32>
        %parallel_loop3A_836 = arith.addf %parallel_loop3A_830, %parallel_loop3A_835 : vector<16xf32>
        %parallel_loop3A_837 = arith.index_cast %rem3A_95 : i32 to index
        %parallel_loop3A_838 = arith.index_cast %parallel_loop3A_162 : i32 to index
        %parallel_loop3A_839 = arith.constant 624 : index
        %parallel_loop3A_840 = tpu.vector_load %arg7[%parallel_loop3A_837, %parallel_loop3A_838, %parallel_loop3A_839] {strides = array<i32>} : memref<2x24x768xf32, #tpu.memory_space<vmem>>, vector<1x1x16xf32>,
        %parallel_loop3A_841 = vector.shape_cast %parallel_loop3A_840 : vector<1x1x16xf32> to vector<16xf32>
        %parallel_loop3A_842 = vector.shape_cast %parallel_loop3A_836 : vector<16xf32> to vector<1x1x16xf32>
        tpu.vector_store %arg7[%parallel_loop3A_837, %parallel_loop3A_838, %parallel_loop3A_839], %parallel_loop3A_842 {strides = array<i32>} : memref<2x24x768xf32, #tpu.memory_space<vmem>>, vector<1x1x16xf32>,
        %parallel_loop3A_843 = arith.index_cast %rem3A_95 : i32 to index
        %parallel_loop3A_844 = arith.index_cast %parallel_loop3A_162 : i32 to index
        %parallel_loop3A_845 = arith.constant 640 : index
        %parallel_loop3A_846 = tpu.vector_load %arg6[%parallel_loop3A_843, %parallel_loop3A_844, %parallel_loop3A_845] {strides = array<i32>} : memref<2x24x768xf32, #tpu.memory_space<vmem>>, vector<1x1x16xf32>,
        %parallel_loop3A_847 = vector.shape_cast %parallel_loop3A_846 : vector<1x1x16xf32> to vector<16xf32>
        %parallel_loop3A_848 = arith.addi %mul3A_135, %parallel_loop3A_162 : i32
        %parallel_loop3A_849 = arith.index_cast %parallel_loop3A_848 : i32 to index
        %parallel_loop3A_850 = arith.constant 640 : index
        %parallel_loop3A_851 = tpu.vector_load %arg5[%parallel_loop3A_849, %parallel_loop3A_850] {strides = array<i32>} : memref<72x768xf32, #tpu.memory_space<vmem>>, vector<1x16xf32>,
        %parallel_loop3A_852 = vector.shape_cast %parallel_loop3A_851 : vector<1x16xf32> to vector<16xf32>
        %parallel_loop3A_853 = arith.addf %parallel_loop3A_847, %parallel_loop3A_852 : vector<16xf32>
        %parallel_loop3A_854 = arith.index_cast %rem3A_95 : i32 to index
        %parallel_loop3A_855 = arith.index_cast %parallel_loop3A_162 : i32 to index
        %parallel_loop3A_856 = arith.constant 640 : index
        %parallel_loop3A_857 = tpu.vector_load %arg7[%parallel_loop3A_854, %parallel_loop3A_855, %parallel_loop3A_856] {strides = array<i32>} : memref<2x24x768xf32, #tpu.memory_space<vmem>>, vector<1x1x16xf32>,
        %parallel_loop3A_858 = vector.shape_cast %parallel_loop3A_857 : vector<1x1x16xf32> to vector<16xf32>
        %parallel_loop3A_859 = vector.shape_cast %parallel_loop3A_853 : vector<16xf32> to vector<1x1x16xf32>
        tpu.vector_store %arg7[%parallel_loop3A_854, %parallel_loop3A_855, %parallel_loop3A_856], %parallel_loop3A_859 {strides = array<i32>} : memref<2x24x768xf32, #tpu.memory_space<vmem>>, vector<1x1x16xf32>,
        %parallel_loop3A_860 = arith.index_cast %rem3A_95 : i32 to index
        %parallel_loop3A_861 = arith.index_cast %parallel_loop3A_162 : i32 to index
        %parallel_loop3A_862 = arith.constant 656 : index
        %parallel_loop3A_863 = tpu.vector_load %arg6[%parallel_loop3A_860, %parallel_loop3A_861, %parallel_loop3A_862] {strides = array<i32>} : memref<2x24x768xf32, #tpu.memory_space<vmem>>, vector<1x1x16xf32>,
        %parallel_loop3A_864 = vector.shape_cast %parallel_loop3A_863 : vector<1x1x16xf32> to vector<16xf32>
        %parallel_loop3A_865 = arith.addi %mul3A_135, %parallel_loop3A_162 : i32
        %parallel_loop3A_866 = arith.index_cast %parallel_loop3A_865 : i32 to index
        %parallel_loop3A_867 = arith.constant 656 : index
        %parallel_loop3A_868 = tpu.vector_load %arg5[%parallel_loop3A_866, %parallel_loop3A_867] {strides = array<i32>} : memref<72x768xf32, #tpu.memory_space<vmem>>, vector<1x16xf32>,
        %parallel_loop3A_869 = vector.shape_cast %parallel_loop3A_868 : vector<1x16xf32> to vector<16xf32>
        %parallel_loop3A_870 = arith.addf %parallel_loop3A_864, %parallel_loop3A_869 : vector<16xf32>
        %parallel_loop3A_871 = arith.index_cast %rem3A_95 : i32 to index
        %parallel_loop3A_872 = arith.index_cast %parallel_loop3A_162 : i32 to index
        %parallel_loop3A_873 = arith.constant 656 : index
        %parallel_loop3A_874 = tpu.vector_load %arg7[%parallel_loop3A_871, %parallel_loop3A_872, %parallel_loop3A_873] {strides = array<i32>} : memref<2x24x768xf32, #tpu.memory_space<vmem>>, vector<1x1x16xf32>,
        %parallel_loop3A_875 = vector.shape_cast %parallel_loop3A_874 : vector<1x1x16xf32> to vector<16xf32>
        %parallel_loop3A_876 = vector.shape_cast %parallel_loop3A_870 : vector<16xf32> to vector<1x1x16xf32>
        tpu.vector_store %arg7[%parallel_loop3A_871, %parallel_loop3A_872, %parallel_loop3A_873], %parallel_loop3A_876 {strides = array<i32>} : memref<2x24x768xf32, #tpu.memory_space<vmem>>, vector<1x1x16xf32>,
        %parallel_loop3A_877 = arith.index_cast %rem3A_95 : i32 to index
        %parallel_loop3A_878 = arith.index_cast %parallel_loop3A_162 : i32 to index
        %parallel_loop3A_879 = arith.constant 672 : index
        %parallel_loop3A_880 = tpu.vector_load %arg6[%parallel_loop3A_877, %parallel_loop3A_878, %parallel_loop3A_879] {strides = array<i32>} : memref<2x24x768xf32, #tpu.memory_space<vmem>>, vector<1x1x16xf32>,
        %parallel_loop3A_881 = vector.shape_cast %parallel_loop3A_880 : vector<1x1x16xf32> to vector<16xf32>
        %parallel_loop3A_882 = arith.addi %mul3A_135, %parallel_loop3A_162 : i32
        %parallel_loop3A_883 = arith.index_cast %parallel_loop3A_882 : i32 to index
        %parallel_loop3A_884 = arith.constant 672 : index
        %parallel_loop3A_885 = tpu.vector_load %arg5[%parallel_loop3A_883, %parallel_loop3A_884] {strides = array<i32>} : memref<72x768xf32, #tpu.memory_space<vmem>>, vector<1x16xf32>,
        %parallel_loop3A_886 = vector.shape_cast %parallel_loop3A_885 : vector<1x16xf32> to vector<16xf32>
        %parallel_loop3A_887 = arith.addf %parallel_loop3A_881, %parallel_loop3A_886 : vector<16xf32>
        %parallel_loop3A_888 = arith.index_cast %rem3A_95 : i32 to index
        %parallel_loop3A_889 = arith.index_cast %parallel_loop3A_162 : i32 to index
        %parallel_loop3A_890 = arith.constant 672 : index
        %parallel_loop3A_891 = tpu.vector_load %arg7[%parallel_loop3A_888, %parallel_loop3A_889, %parallel_loop3A_890] {strides = array<i32>} : memref<2x24x768xf32, #tpu.memory_space<vmem>>, vector<1x1x16xf32>,
        %parallel_loop3A_892 = vector.shape_cast %parallel_loop3A_891 : vector<1x1x16xf32> to vector<16xf32>
        %parallel_loop3A_893 = vector.shape_cast %parallel_loop3A_887 : vector<16xf32> to vector<1x1x16xf32>
        tpu.vector_store %arg7[%parallel_loop3A_888, %parallel_loop3A_889, %parallel_loop3A_890], %parallel_loop3A_893 {strides = array<i32>} : memref<2x24x768xf32, #tpu.memory_space<vmem>>, vector<1x1x16xf32>,
        %parallel_loop3A_894 = arith.index_cast %rem3A_95 : i32 to index
        %parallel_loop3A_895 = arith.index_cast %parallel_loop3A_162 : i32 to index
        %parallel_loop3A_896 = arith.constant 688 : index
        %parallel_loop3A_897 = tpu.vector_load %arg6[%parallel_loop3A_894, %parallel_loop3A_895, %parallel_loop3A_896] {strides = array<i32>} : memref<2x24x768xf32, #tpu.memory_space<vmem>>, vector<1x1x16xf32>,
        %parallel_loop3A_898 = vector.shape_cast %parallel_loop3A_897 : vector<1x1x16xf32> to vector<16xf32>
        %parallel_loop3A_899 = arith.addi %mul3A_135, %parallel_loop3A_162 : i32
        %parallel_loop3A_900 = arith.index_cast %parallel_loop3A_899 : i32 to index
        %parallel_loop3A_901 = arith.constant 688 : index
        %parallel_loop3A_902 = tpu.vector_load %arg5[%parallel_loop3A_900, %parallel_loop3A_901] {strides = array<i32>} : memref<72x768xf32, #tpu.memory_space<vmem>>, vector<1x16xf32>,
        %parallel_loop3A_903 = vector.shape_cast %parallel_loop3A_902 : vector<1x16xf32> to vector<16xf32>
        %parallel_loop3A_904 = arith.addf %parallel_loop3A_898, %parallel_loop3A_903 : vector<16xf32>
        %parallel_loop3A_905 = arith.index_cast %rem3A_95 : i32 to index
        %parallel_loop3A_906 = arith.index_cast %parallel_loop3A_162 : i32 to index
        %parallel_loop3A_907 = arith.constant 688 : index
        %parallel_loop3A_908 = tpu.vector_load %arg7[%parallel_loop3A_905, %parallel_loop3A_906, %parallel_loop3A_907] {strides = array<i32>} : memref<2x24x768xf32, #tpu.memory_space<vmem>>, vector<1x1x16xf32>,
        %parallel_loop3A_909 = vector.shape_cast %parallel_loop3A_908 : vector<1x1x16xf32> to vector<16xf32>
        %parallel_loop3A_910 = vector.shape_cast %parallel_loop3A_904 : vector<16xf32> to vector<1x1x16xf32>
        tpu.vector_store %arg7[%parallel_loop3A_905, %parallel_loop3A_906, %parallel_loop3A_907], %parallel_loop3A_910 {strides = array<i32>} : memref<2x24x768xf32, #tpu.memory_space<vmem>>, vector<1x1x16xf32>,
        %parallel_loop3A_911 = arith.index_cast %rem3A_95 : i32 to index
        %parallel_loop3A_912 = arith.index_cast %parallel_loop3A_162 : i32 to index
        %parallel_loop3A_913 = arith.constant 704 : index
        %parallel_loop3A_914 = tpu.vector_load %arg6[%parallel_loop3A_911, %parallel_loop3A_912, %parallel_loop3A_913] {strides = array<i32>} : memref<2x24x768xf32, #tpu.memory_space<vmem>>, vector<1x1x16xf32>,
        %parallel_loop3A_915 = vector.shape_cast %parallel_loop3A_914 : vector<1x1x16xf32> to vector<16xf32>
        %parallel_loop3A_916 = arith.addi %mul3A_135, %parallel_loop3A_162 : i32
        %parallel_loop3A_917 = arith.index_cast %parallel_loop3A_916 : i32 to index
        %parallel_loop3A_918 = arith.constant 704 : index
        %parallel_loop3A_919 = tpu.vector_load %arg5[%parallel_loop3A_917, %parallel_loop3A_918] {strides = array<i32>} : memref<72x768xf32, #tpu.memory_space<vmem>>, vector<1x16xf32>,
        %parallel_loop3A_920 = vector.shape_cast %parallel_loop3A_919 : vector<1x16xf32> to vector<16xf32>
        %parallel_loop3A_921 = arith.addf %parallel_loop3A_915, %parallel_loop3A_920 : vector<16xf32>
        %parallel_loop3A_922 = arith.index_cast %rem3A_95 : i32 to index
        %parallel_loop3A_923 = arith.index_cast %parallel_loop3A_162 : i32 to index
        %parallel_loop3A_924 = arith.constant 704 : index
        %parallel_loop3A_925 = tpu.vector_load %arg7[%parallel_loop3A_922, %parallel_loop3A_923, %parallel_loop3A_924] {strides = array<i32>} : memref<2x24x768xf32, #tpu.memory_space<vmem>>, vector<1x1x16xf32>,
        %parallel_loop3A_926 = vector.shape_cast %parallel_loop3A_925 : vector<1x1x16xf32> to vector<16xf32>
        %parallel_loop3A_927 = vector.shape_cast %parallel_loop3A_921 : vector<16xf32> to vector<1x1x16xf32>
        tpu.vector_store %arg7[%parallel_loop3A_922, %parallel_loop3A_923, %parallel_loop3A_924], %parallel_loop3A_927 {strides = array<i32>} : memref<2x24x768xf32, #tpu.memory_space<vmem>>, vector<1x1x16xf32>,
        %parallel_loop3A_928 = arith.index_cast %rem3A_95 : i32 to index
        %parallel_loop3A_929 = arith.index_cast %parallel_loop3A_162 : i32 to index
        %parallel_loop3A_930 = arith.constant 720 : index
        %parallel_loop3A_931 = tpu.vector_load %arg6[%parallel_loop3A_928, %parallel_loop3A_929, %parallel_loop3A_930] {strides = array<i32>} : memref<2x24x768xf32, #tpu.memory_space<vmem>>, vector<1x1x16xf32>,
        %parallel_loop3A_932 = vector.shape_cast %parallel_loop3A_931 : vector<1x1x16xf32> to vector<16xf32>
        %parallel_loop3A_933 = arith.addi %mul3A_135, %parallel_loop3A_162 : i32
        %parallel_loop3A_934 = arith.index_cast %parallel_loop3A_933 : i32 to index
        %parallel_loop3A_935 = arith.constant 720 : index
        %parallel_loop3A_936 = tpu.vector_load %arg5[%parallel_loop3A_934, %parallel_loop3A_935] {strides = array<i32>} : memref<72x768xf32, #tpu.memory_space<vmem>>, vector<1x16xf32>,
        %parallel_loop3A_937 = vector.shape_cast %parallel_loop3A_936 : vector<1x16xf32> to vector<16xf32>
        %parallel_loop3A_938 = arith.addf %parallel_loop3A_932, %parallel_loop3A_937 : vector<16xf32>
        %parallel_loop3A_939 = arith.index_cast %rem3A_95 : i32 to index
        %parallel_loop3A_940 = arith.index_cast %parallel_loop3A_162 : i32 to index
        %parallel_loop3A_941 = arith.constant 720 : index
        %parallel_loop3A_942 = tpu.vector_load %arg7[%parallel_loop3A_939, %parallel_loop3A_940, %parallel_loop3A_941] {strides = array<i32>} : memref<2x24x768xf32, #tpu.memory_space<vmem>>, vector<1x1x16xf32>,
        %parallel_loop3A_943 = vector.shape_cast %parallel_loop3A_942 : vector<1x1x16xf32> to vector<16xf32>
        %parallel_loop3A_944 = vector.shape_cast %parallel_loop3A_938 : vector<16xf32> to vector<1x1x16xf32>
        tpu.vector_store %arg7[%parallel_loop3A_939, %parallel_loop3A_940, %parallel_loop3A_941], %parallel_loop3A_944 {strides = array<i32>} : memref<2x24x768xf32, #tpu.memory_space<vmem>>, vector<1x1x16xf32>,
        %parallel_loop3A_945 = arith.index_cast %rem3A_95 : i32 to index
        %parallel_loop3A_946 = arith.index_cast %parallel_loop3A_162 : i32 to index
        %parallel_loop3A_947 = arith.constant 736 : index
        %parallel_loop3A_948 = tpu.vector_load %arg6[%parallel_loop3A_945, %parallel_loop3A_946, %parallel_loop3A_947] {strides = array<i32>} : memref<2x24x768xf32, #tpu.memory_space<vmem>>, vector<1x1x16xf32>,
        %parallel_loop3A_949 = vector.shape_cast %parallel_loop3A_948 : vector<1x1x16xf32> to vector<16xf32>
        %parallel_loop3A_950 = arith.addi %mul3A_135, %parallel_loop3A_162 : i32
        %parallel_loop3A_951 = arith.index_cast %parallel_loop3A_950 : i32 to index
        %parallel_loop3A_952 = arith.constant 736 : index
        %parallel_loop3A_953 = tpu.vector_load %arg5[%parallel_loop3A_951, %parallel_loop3A_952] {strides = array<i32>} : memref<72x768xf32, #tpu.memory_space<vmem>>, vector<1x16xf32>,
        %parallel_loop3A_954 = vector.shape_cast %parallel_loop3A_953 : vector<1x16xf32> to vector<16xf32>
        %parallel_loop3A_955 = arith.addf %parallel_loop3A_949, %parallel_loop3A_954 : vector<16xf32>
        %parallel_loop3A_956 = arith.index_cast %rem3A_95 : i32 to index
        %parallel_loop3A_957 = arith.index_cast %parallel_loop3A_162 : i32 to index
        %parallel_loop3A_958 = arith.constant 736 : index
        %parallel_loop3A_959 = tpu.vector_load %arg7[%parallel_loop3A_956, %parallel_loop3A_957, %parallel_loop3A_958] {strides = array<i32>} : memref<2x24x768xf32, #tpu.memory_space<vmem>>, vector<1x1x16xf32>,
        %parallel_loop3A_960 = vector.shape_cast %parallel_loop3A_959 : vector<1x1x16xf32> to vector<16xf32>
        %parallel_loop3A_961 = vector.shape_cast %parallel_loop3A_955 : vector<16xf32> to vector<1x1x16xf32>
        tpu.vector_store %arg7[%parallel_loop3A_956, %parallel_loop3A_957, %parallel_loop3A_958], %parallel_loop3A_961 {strides = array<i32>} : memref<2x24x768xf32, #tpu.memory_space<vmem>>, vector<1x1x16xf32>,
        %parallel_loop3A_962 = arith.index_cast %rem3A_95 : i32 to index
        %parallel_loop3A_963 = arith.index_cast %parallel_loop3A_162 : i32 to index
        %parallel_loop3A_964 = arith.constant 752 : index
        %parallel_loop3A_965 = tpu.vector_load %arg6[%parallel_loop3A_962, %parallel_loop3A_963, %parallel_loop3A_964] {strides = array<i32>} : memref<2x24x768xf32, #tpu.memory_space<vmem>>, vector<1x1x16xf32>,
        %parallel_loop3A_966 = vector.shape_cast %parallel_loop3A_965 : vector<1x1x16xf32> to vector<16xf32>
        %parallel_loop3A_967 = arith.addi %mul3A_135, %parallel_loop3A_162 : i32
        %parallel_loop3A_968 = arith.index_cast %parallel_loop3A_967 : i32 to index
        %parallel_loop3A_969 = arith.constant 752 : index
        %parallel_loop3A_970 = tpu.vector_load %arg5[%parallel_loop3A_968, %parallel_loop3A_969] {strides = array<i32>} : memref<72x768xf32, #tpu.memory_space<vmem>>, vector<1x16xf32>,
        %parallel_loop3A_971 = vector.shape_cast %parallel_loop3A_970 : vector<1x16xf32> to vector<16xf32>
        %parallel_loop3A_972 = arith.addf %parallel_loop3A_966, %parallel_loop3A_971 : vector<16xf32>
        %parallel_loop3A_973 = arith.index_cast %rem3A_95 : i32 to index
        %parallel_loop3A_974 = arith.index_cast %parallel_loop3A_162 : i32 to index
        %parallel_loop3A_975 = arith.constant 752 : index
        %parallel_loop3A_976 = tpu.vector_load %arg7[%parallel_loop3A_973, %parallel_loop3A_974, %parallel_loop3A_975] {strides = array<i32>} : memref<2x24x768xf32, #tpu.memory_space<vmem>>, vector<1x1x16xf32>,
        %parallel_loop3A_977 = vector.shape_cast %parallel_loop3A_976 : vector<1x1x16xf32> to vector<16xf32>
        %parallel_loop3A_978 = vector.shape_cast %parallel_loop3A_972 : vector<16xf32> to vector<1x1x16xf32>
        tpu.vector_store %arg7[%parallel_loop3A_973, %parallel_loop3A_974, %parallel_loop3A_975], %parallel_loop3A_978 {strides = array<i32>} : memref<2x24x768xf32, #tpu.memory_space<vmem>>, vector<1x1x16xf32>,
      } {sc.loop_unroll_factor = 1 : i64, sc.parallel_access}
      %div3A_138 = arith.constant 3 : i32
      %div3A_139 = arith.divsi %scan3A_93, %div3A_138 : i32
      %add3A_140 = arith.addi %mul3A_4, %div3A_139 : i32
      %rem3A_141 = arith.constant 3 : i32
      %rem3A_142 = arith.remsi %scan3A_93, %rem3A_141 : i32
      %mul3A_143 = arith.constant 24 : i32
      %mul3A_144 = arith.muli %rem3A_142, %mul3A_143 : i32
      %add3A_145 = arith.addi %mul3A_6, %mul3A_144 : i32
      %dma_start3A_146 = arith.constant 0 : i32
      %dma_start3A_147 = arith.constant 0 : i32
      %dma_start3A_148 = tpu.memref_slice %arg7[%rem3A_95, %dma_start3A_146, %dma_start3A_147] : memref<2x24x768xf32, #tpu.memory_space<vmem>> -> memref<1x24x768xf32, #tpu.memory_space<vmem>>
      %dma_start3A_149 = tpu.memref_squeeze %dma_start3A_148 : memref<1x24x768xf32, #tpu.memory_space<vmem>> -> memref<24x768xf32, #tpu.memory_space<vmem>>
      %dma_start3A_150 = arith.constant 0 : i32
      %dma_start3A_151 = tpu.memref_slice %arg4[%add3A_140, %add3A_145, %dma_start3A_150] : memref<64x576x768xf32, #tpu.memory_space<hbm>> -> memref<1x24x768xf32, #tpu.memory_space<hbm>>
      %dma_start3A_152 = tpu.memref_squeeze %dma_start3A_151 : memref<1x24x768xf32, #tpu.memory_space<hbm>> -> memref<24x768xf32, #tpu.memory_space<hbm>>
      %dma_start3A_153 = tpu.memref_slice %arg9[%rem3A_95] : memref<2x!tpu.dma_semaphore, #tpu.memory_space<semaphore_mem>> -> memref<1x!tpu.dma_semaphore, #tpu.memory_space<semaphore_mem>>
      %dma_start3A_154 = tpu.memref_squeeze %dma_start3A_153 : memref<1x!tpu.dma_semaphore, #tpu.memory_space<semaphore_mem>> -> memref<!tpu.dma_semaphore, #tpu.memory_space<semaphore_mem>>
      %dma_start3A_155 = arith.constant 0 : i32
      %dma_start3A_156 = tpu.memref_slice %arg4[%add3A_140, %add3A_145, %dma_start3A_155] : memref<64x576x768xf32, #tpu.memory_space<hbm>> -> memref<1x24x768xf32, #tpu.memory_space<hbm>>
      %dma_start3A_157 = tpu.memref_squeeze %dma_start3A_156 : memref<1x24x768xf32, #tpu.memory_space<hbm>> -> memref<24x768xf32, #tpu.memory_space<hbm>>
      %dma_start3A_158 = arith.constant 0 : i32
      %dma_start3A_159 = arith.constant 0 : i32
      %dma_start3A_160 = tpu.memref_slice %arg7[%rem3A_95, %dma_start3A_158, %dma_start3A_159] : memref<2x24x768xf32, #tpu.memory_space<vmem>> -> memref<1x24x768xf32, #tpu.memory_space<vmem>>
      %dma_start3A_161 = tpu.memref_squeeze %dma_start3A_160 : memref<1x24x768xf32, #tpu.memory_space<vmem>> -> memref<24x768xf32, #tpu.memory_space<vmem>>
      tpu.enqueue_dma source(%dma_start3A_161 : memref<24x768xf32, #tpu.memory_space<vmem>>) target(%dma_start3A_157 : memref<24x768xf32, #tpu.memory_space<hbm>>) target_semaphore(%dma_start3A_154 : memref<!tpu.dma_semaphore, #tpu.memory_space<semaphore_mem>>)
    }
    %scan3A_37 = arith.constant 48 : i32
    %div3A_38 = arith.constant 46 : i32
    %div3A_39 = arith.constant 3 : i32
    %div3A_40 = arith.divsi %div3A_38, %div3A_39 : i32
    %add3A_41 = arith.addi %mul3A_4, %div3A_40 : i32
    %rem3A_42 = arith.constant 46 : i32
    %rem3A_43 = arith.constant 3 : i32
    %rem3A_44 = arith.remsi %rem3A_42, %rem3A_43 : i32
    %mul3A_45 = arith.constant 24 : i32
    %mul3A_46 = arith.muli %rem3A_44, %mul3A_45 : i32
    %add3A_47 = arith.addi %mul3A_6, %mul3A_46 : i32
    %dma_wait3A = arith.constant 0 : i32
    %dma_wait3A_48 = arith.constant 0 : i32
    %dma_wait3A_49 = arith.constant 0 : i32
    %dma_wait3A_50 = arith.constant 0 : i32
    %dma_wait3A_51 = tpu.memref_slice %arg7[%dma_wait3A, %dma_wait3A_49, %dma_wait3A_50] : memref<2x24x768xf32, #tpu.memory_space<vmem>> -> memref<1x24x768xf32, #tpu.memory_space<vmem>>
    %dma_wait3A_52 = tpu.memref_squeeze %dma_wait3A_51 : memref<1x24x768xf32, #tpu.memory_space<vmem>> -> memref<24x768xf32, #tpu.memory_space<vmem>>
    %dma_wait3A_53 = arith.constant 0 : i32
    %dma_wait3A_54 = tpu.memref_slice %arg4[%add3A_41, %add3A_47, %dma_wait3A_53] : memref<64x576x768xf32, #tpu.memory_space<hbm>> -> memref<1x24x768xf32, #tpu.memory_space<hbm>>
    %dma_wait3A_55 = tpu.memref_squeeze %dma_wait3A_54 : memref<1x24x768xf32, #tpu.memory_space<hbm>> -> memref<24x768xf32, #tpu.memory_space<hbm>>
    %dma_wait3A_56 = tpu.memref_slice %arg9[%dma_wait3A_48] : memref<2x!tpu.dma_semaphore, #tpu.memory_space<semaphore_mem>> -> memref<1x!tpu.dma_semaphore, #tpu.memory_space<semaphore_mem>>
    %dma_wait3A_57 = tpu.memref_squeeze %dma_wait3A_56 : memref<1x!tpu.dma_semaphore, #tpu.memory_space<semaphore_mem>> -> memref<!tpu.dma_semaphore, #tpu.memory_space<semaphore_mem>>
    %dma_wait3A_58 = arith.constant 0 : i32
    %dma_wait3A_59 = tpu.memref_slice %arg4[%add3A_41, %add3A_47, %dma_wait3A_58] : memref<64x576x768xf32, #tpu.memory_space<hbm>> -> memref<1x24x768xf32, #tpu.memory_space<hbm>>
    %dma_wait3A_60 = tpu.memref_squeeze %dma_wait3A_59 : memref<1x24x768xf32, #tpu.memory_space<hbm>> -> memref<24x768xf32, #tpu.memory_space<hbm>>
    %dma_wait3A_61 = arith.constant 0 : i32
    %dma_wait3A_62 = arith.constant 0 : i32
    %dma_wait3A_63 = tpu.memref_slice %arg7[%dma_wait3A, %dma_wait3A_61, %dma_wait3A_62] : memref<2x24x768xf32, #tpu.memory_space<vmem>> -> memref<1x24x768xf32, #tpu.memory_space<vmem>>
    %dma_wait3A_64 = tpu.memref_squeeze %dma_wait3A_63 : memref<1x24x768xf32, #tpu.memory_space<vmem>> -> memref<24x768xf32, #tpu.memory_space<vmem>>
    tpu.wait_dma2 semaphore(%dma_wait3A_57 : memref<!tpu.dma_semaphore, #tpu.memory_space<semaphore_mem>>) src(%dma_wait3A_64 : memref<24x768xf32, #tpu.memory_space<vmem>>) dst(%dma_wait3A_60 : memref<24x768xf32, #tpu.memory_space<hbm>>)
    %div3A_65 = arith.constant 47 : i32
    %div3A_66 = arith.constant 3 : i32
    %div3A_67 = arith.divsi %div3A_65, %div3A_66 : i32
    %add3A_68 = arith.addi %mul3A_4, %div3A_67 : i32
    %rem3A_69 = arith.constant 47 : i32
    %rem3A_70 = arith.constant 3 : i32
    %rem3A_71 = arith.remsi %rem3A_69, %rem3A_70 : i32
    %mul3A_72 = arith.constant 24 : i32
    %mul3A_73 = arith.muli %rem3A_71, %mul3A_72 : i32
    %add3A_74 = arith.addi %mul3A_6, %mul3A_73 : i32
    %dma_wait3A_75 = arith.constant 1 : i32
    %dma_wait3A_76 = arith.constant 1 : i32
    %dma_wait3A_77 = arith.constant 0 : i32
    %dma_wait3A_78 = arith.constant 0 : i32
    %dma_wait3A_79 = tpu.memref_slice %arg7[%dma_wait3A_75, %dma_wait3A_77, %dma_wait3A_78] : memref<2x24x768xf32, #tpu.memory_space<vmem>> -> memref<1x24x768xf32, #tpu.memory_space<vmem>>
    %dma_wait3A_80 = tpu.memref_squeeze %dma_wait3A_79 : memref<1x24x768xf32, #tpu.memory_space<vmem>> -> memref<24x768xf32, #tpu.memory_space<vmem>>
    %dma_wait3A_81 = arith.constant 0 : i32
    %dma_wait3A_82 = tpu.memref_slice %arg4[%add3A_68, %add3A_74, %dma_wait3A_81] : memref<64x576x768xf32, #tpu.memory_space<hbm>> -> memref<1x24x768xf32, #tpu.memory_space<hbm>>
    %dma_wait3A_83 = tpu.memref_squeeze %dma_wait3A_82 : memref<1x24x768xf32, #tpu.memory_space<hbm>> -> memref<24x768xf32, #tpu.memory_space<hbm>>
    %dma_wait3A_84 = tpu.memref_slice %arg9[%dma_wait3A_76] : memref<2x!tpu.dma_semaphore, #tpu.memory_space<semaphore_mem>> -> memref<1x!tpu.dma_semaphore, #tpu.memory_space<semaphore_mem>>
    %dma_wait3A_85 = tpu.memref_squeeze %dma_wait3A_84 : memref<1x!tpu.dma_semaphore, #tpu.memory_space<semaphore_mem>> -> memref<!tpu.dma_semaphore, #tpu.memory_space<semaphore_mem>>
    %dma_wait3A_86 = arith.constant 0 : i32
    %dma_wait3A_87 = tpu.memref_slice %arg4[%add3A_68, %add3A_74, %dma_wait3A_86] : memref<64x576x768xf32, #tpu.memory_space<hbm>> -> memref<1x24x768xf32, #tpu.memory_space<hbm>>
    %dma_wait3A_88 = tpu.memref_squeeze %dma_wait3A_87 : memref<1x24x768xf32, #tpu.memory_space<hbm>> -> memref<24x768xf32, #tpu.memory_space<hbm>>
    %dma_wait3A_89 = arith.constant 0 : i32
    %dma_wait3A_90 = arith.constant 0 : i32
    %dma_wait3A_91 = tpu.memref_slice %arg7[%dma_wait3A_75, %dma_wait3A_89, %dma_wait3A_90] : memref<2x24x768xf32, #tpu.memory_space<vmem>> -> memref<1x24x768xf32, #tpu.memory_space<vmem>>
    %dma_wait3A_92 = tpu.memref_squeeze %dma_wait3A_91 : memref<1x24x768xf32, #tpu.memory_space<vmem>> -> memref<24x768xf32, #tpu.memory_space<vmem>>
    tpu.wait_dma2 semaphore(%dma_wait3A_85 : memref<!tpu.dma_semaphore, #tpu.memory_space<semaphore_mem>>) src(%dma_wait3A_92 : memref<24x768xf32, #tpu.memory_space<vmem>>) dst(%dma_wait3A_88 : memref<24x768xf32, #tpu.memory_space<hbm>>)
    return
  }
}

</mosaic_0001>

<sc_bundles>
// kernel: kernel.3.cloned.1.call-start
scs
__scs_entry_jumppad:
0x0: {  	(pc) =	sbr.rel $0x88, $3  }
0x1: {  	(tag) =	ssettag $0x0;
	lr =	simm.s32 $0x1  }
0x2: {  	[smem:$0x3F9F] =	sst lr;
	_ =	strace $0xD0000000  }
0x3: {  	_ = 	snop  }
0x4: {  	_ = 	snop  }
0x5: {  	_ = 	snop  }
0x6: {  	_ = 	snop  }
0x7: {  	_ = 	snop  }
__scs_overlays_trampoline_lowered:
0x8: {  	[smem:$0x3FAE] =	sst s0  }
0x9: {  	[smem:$0x3FAF] =	sst s1  }
0xa: {  	[smem:$0x3FB0] =	sst s2  }
0xb: {  	[smem:$0x3FB1] =	sst s3  }
0xc: {  	[smem:$0x3FB2] =	sst s4  }
0xd: {  	[smem:$0x3FB3] =	sst s5  }
0xe: {  	[smem:$0x3FB4] =	sst s6  }
0xf: {  	[smem:$0x3FB5] =	sst s7  }
0x10: {  	[smem:$0x3FB6] =	sst s8  }
0x11: {  	[smem:$0x3FB7] =	sst s9;
	s0 =	simm.s32 @!p0 $0x0  }
0x12: {  	s1 =	sld [smem:$0x3F9D];
	s0 =	simm.s32 @p0 $0x1  }
0x13: {  	[smem:$0x3FB8] =	sst s0;
	s0 =	simm.s32 @!p1 $0x0  }
0x14: {  	s2 =	sld [smem:$0x3F9C];
	s0 =	simm.s32 @p1 $0x1  }
0x15: {  	[smem:$0x3FB9] =	sst s0;
	s0 =	simm.s32 @!p2 $0x0  }
0x16: {  	s3 =	sld [smem:$0x3FDB];
	s0 =	simm.s32 @p2 $0x1  }
0x17: {  	s4 =	simm.s32 $0x1BF5;
	[smem:$0x3FBB] =	sst s0  }
0x18: {  	s0 =	sld [smem:$0x3F9E];
	_ =	swait.ge [sflag:s4], $0x0  }
0x19: {  	s7 =	sld [smem:$0x3F9F]  }
0x1a: {  	s8 =	sadd.s32 $0xFFFFE003, lr  }
0x1b: {  	s9 =	sadd.s32 $0xFFFFFEF7, lr;
	s5 =	simm.s32 $0xFFFFFFFF;
	p2 =	slt.u32 s8, $0xFFFFF086  }
0x1c: {  	p1 =	slt.u32 s9, $0xF7A;
	s5 =	simm.s32 @!p2 $0x0  }
0x1d: {  	s5 =	simm.s32 @p1 $0x1;
	p0 =	seq.s32 s7, s2  }
0x1e: {  	s7 =	smul.u32 @!p0 $0xF7A, s2;
	p2 =	seq.s32 @!p0 s5, $0x0  }
0x1f: {  	s9 =	smul.u32 $0xF7A, s1;
	s8 =	simm.s32 @!p0 $0x1BF5;
	p2 =	por !p2, p0  }
0x20: {  	[sflag:s8] =	ssyncset.s32 @!p0 $0xFFFFF086;
	s6 =	sadd.s32 @!p0 s3, s7;
	s7 =	simm.s32 @!p0 $0x108  }
0x21: {  	s3 =	sadd.s32 s3, s9;
	s6 =	sadd.s32 @!p0 $0x88, s6;
	s7 =	simm.s32 @p2 $0x1082  }
0x22: {  	[simem:s7], [sflag:s8] =	dma.local @!p0 [hbm:s6], $0xF7A  }
0x23: {  	s9 =	sor.u32 $0xD0000000, s2;
	s6 =	simm.s32 $0x108;
	_ =	swait.ge @!p0 [sflag:s8], $0x0  }
0x24: {  	s3 =	sadd.s32 $0x88, s3;
	s6 =	simm.s32 @!p1 $0x1082;
	[sflag:s4] =	ssyncset.s32 $0xFFFFF086  }
0x25: {  	[simem:s6], [sflag:s4] =	dma.local [hbm:s3], $0xF7A  }
0x26: {  	[smem:$0x3F9F] =	sst s1;
	(tag) =	ssettag s2;
	_ =	strace s9  }
0x27: {  	s1 =	sld [smem:$0x3FAF]  }
0x28: {  	s2 =	sld [smem:$0x3FB0]  }
0x29: {  	s4 =	sld [smem:$0x3FB2]  }
0x2a: {  	p0 =	seq.s32 s5, $0x0;
	s5 =	sld [smem:$0x3FB3]  }
0x2b: {  	s6 =	sld [smem:$0x3FB4]  }
0x2c: {  	s7 =	sld [smem:$0x3FB5]  }
0x2d: {  	s3 =	simm.s32 $0x108;
	s8 =	sld [smem:$0x3FB6]  }
0x2e: {  	s3 =	simm.s32 @!p0 $0x1082;
	s9 =	sld [smem:$0x3FB7]  }
0x2f: {  	lr =	sadd.s32 s0, s3;
	s0 =	sld [smem:$0x3FAE]  }
0x30: {  	s3 =	sld [smem:$0x3FB1]  }
0x31: {  	[smem:$0x3FBA] =	sst s10  }
0x32: {  	s10 =	sld [smem:$0x3FB8];
	_ =	sdelay $0x3  }
0x33: {  	p0 =	seq.s32 s10, $0x1;
	s10 =	sld [smem:$0x3FBA];
	_ =	sdelay $0x3  }
0x34: {  	[smem:$0x3FBA] =	sst s10  }
0x35: {  	s10 =	sld [smem:$0x3FB9];
	_ =	sdelay $0x3  }
0x36: {  	p1 =	seq.s32 s10, $0x1;
	s10 =	sld [smem:$0x3FBA];
	_ =	sdelay $0x3  }
0x37: {  	[smem:$0x3FBA] =	sst s10  }
0x38: {  	s10 =	sld [smem:$0x3FBB]  }
0x39: {  	_ = 	snop;
	(pc) =	sbr.ind lr, $3  }
0x3a: {  	_ = 	snop  }
0x3b: {  	_ = 	snop  }
0x3c: {  	p2 =	seq.s32 s10, $0x1;
	s10 =	sld [smem:$0x3FBA]  }
0x3d: {  	_ =	shalt  }
0x3e: {  	_ =	shalt  }
0x3f: {  	_ =	shalt  }
0x40: {  	_ =	shalt  }
0x41: {  	_ =	shalt  }
0x42: {  	_ =	shalt  }
0x43: {  	_ =	shalt  }
0x44: {  	_ =	shalt  }
0x45: {  	_ =	shalt  }
0x46: {  	_ =	shalt  }
0x47: {  	_ =	shalt  }
0x48: {  	_ =	shalt  }
0x49: {  	_ =	shalt  }
0x4a: {  	_ =	shalt  }
0x4b: {  	_ =	shalt  }
0x4c: {  	_ =	shalt  }
0x4d: {  	_ =	shalt  }
0x4e: {  	_ =	shalt  }
0x4f: {  	_ =	shalt  }
0x50: {  	_ =	shalt  }
0x51: {  	_ =	shalt  }
0x52: {  	_ =	shalt  }
0x53: {  	_ =	shalt  }
0x54: {  	_ =	shalt  }
0x55: {  	_ =	shalt  }
0x56: {  	_ =	shalt  }
0x57: {  	_ =	shalt  }
0x58: {  	_ =	shalt  }
0x59: {  	_ =	shalt  }
0x5a: {  	_ =	shalt  }
0x5b: {  	_ =	shalt  }
0x5c: {  	_ =	shalt  }
0x5d: {  	_ =	shalt  }
0x5e: {  	_ =	shalt  }
0x5f: {  	_ =	shalt  }
0x60: {  	_ =	shalt  }
0x61: {  	_ =	shalt  }
0x62: {  	_ =	shalt  }
0x63: {  	_ =	shalt  }
0x64: {  	_ =	shalt  }
0x65: {  	_ =	shalt  }
0x66: {  	_ =	shalt  }
0x67: {  	_ =	shalt  }
0x68: {  	_ =	shalt  }
0x69: {  	_ =	shalt  }
0x6a: {  	_ =	shalt  }
0x6b: {  	_ =	shalt  }
0x6c: {  	_ =	shalt  }
0x6d: {  	_ =	shalt  }
0x6e: {  	_ =	shalt  }
0x6f: {  	_ =	shalt  }
0x70: {  	_ =	shalt  }
0x71: {  	_ =	shalt  }
0x72: {  	_ =	shalt  }
0x73: {  	_ =	shalt  }
0x74: {  	_ =	shalt  }
0x75: {  	_ =	shalt  }
0x76: {  	_ =	shalt  }
0x77: {  	_ =	shalt  }
0x78: {  	_ =	shalt  }
0x79: {  	_ =	shalt  }
0x7a: {  	_ =	shalt  }
0x7b: {  	_ =	shalt  }
0x7c: {  	_ =	shalt  }
0x7d: {  	_ =	shalt  }
0x7e: {  	_ =	shalt  }
0x7f: {  	_ =	shalt  }
0x80: {  	_ =	shalt  }
0x81: {  	_ =	shalt  }
0x82: {  	_ =	shalt  }
0x83: {  	_ =	shalt  }
0x84: {  	_ =	shalt  }
0x85: {  	_ =	shalt  }
0x86: {  	_ =	shalt  }
0x87: {  	_ =	shalt  }
.Lfunc_end0:
.L_simem_size_0:
called_computation_lowered:
.L_overlay_start_0:
0x88: {  	s2 =	sld [smem:$0x3FD9]  }
0x89: {  	s3 =	sld [smem:$0x3FFE];
	_ =	sdelay $0x1  }
0x8a: {  	s1 =	srdreg.scid  }
0x8b: {  	s0 =	sand.u32 $0x1, s1  }
0x8c: {  	s18 =	sshll.u32 s0, $0xA;
	s2 =	sadd.s32 s3, s2  }
0x8d: {  	s2 =	sadd.s32 s2, s18  }
0x8e: {  	[smem:$0x3FC6] =	sst s2  }
0x8f: {  	_ = 	snop  }
0x90: {  	s2 =	sld [smem:$0x3FC9]  }
0x91: {  	s19 =	sld [smem:$0x3FC8]  }
0x92: {  	s4 =	sld [smem:$0x3FD0];
	(tm) =	ssettm $0x1  }
0x93: {  	s5 =	sld [smem:$0x3FFB];
	_ =	sdelay $0x3  }
0x94: {  	_ =	strace s5  }
0x95: {  	s5 =	sld [smem:$0x3FFC];
	_ =	sdelay $0x3  }
0x96: {  	_ =	strace s5  }
0x97: {  	s5 =	sld [smem:$0x3FFD];
	_ =	sdelay $0x3  }
0x98: {  	_ =	strace s5  }
0x99: {  	_ =	strace $0x8FFFFFFF  }
0x9a: {  	s20 =	sld [smem:$0x3FDB];
	_ =	sdelay $0x1  }
0x9b: {  	s6 =	simm.s32 $_scs_section_size  }
0x9c: {  	s7 =	simm.s32 $_size__tile_overlayer_lowered;
	s8 =	simm.s32 $_tile_overlayer_lowered  }
0x9d: {  	s23 =	simm.s32 $0x1BFF;
	s22 =	sshll.u32 s8, $0x1;
	s5 =	sadd.s32 s6, s20  }
0x9e: {  	s9 =	simm.s32 $0x0;
	s21 =	sshll.u32 s7, $0x1;
	s7 =	sadd.s32 s22, s5  }
0x9f: {  	[timem:s9], [sflag:s23] =	dma.local [hbm:s7], s21  }
0xa0: {  	_ =	swait.ge [sflag:s23], s21  }
0xa1: {  	s6 =	ssub.s32 $0x0, s21;
	[sflag:s23] =	ssyncset.done $0x0  }
0xa2: {  	[sflag:s23] =	ssyncadd.s32 s6;
	_ =	sdelay $0x1  }
0xa3: {  	s24 =	simm.s32 $0x1B8B  }
0xa4: {  	_ =	swait.ge [sflag:s24], $0x1  }
0xa5: {  	[sflag:s24] =	ssyncset.done $0x0  }
0xa6: {  	s25 =	simm.s32 $0x1B8E;
	[sflag:s24] =	ssyncadd.s32 $0xFFFFFFFF  }
0xa7: {  	s26 =	simm.s32 $execute0_lowered;
	[smem:$0x3FD2] =	sst s25  }
0xa8: {  	s6 =	sshll.u32 s26, $0x1;
	_ =	strace $0x80000046;
	[dreg:$0x1] =	wrdreg $0xFFFFFFFF  }
0xa9: {  	s28 =	simm.s32 $_size_execute0_lowered;
	s5 =	sadd.s32 s5, s6;
	[dreg:$0x0] =	wrdreg $0x0  }
0xaa: {  	s6 =	sshll.u32 s28, $0x1;
	[dreg:$0x2] =	wrdreg s5  }
0xab: {  	[dreg:$0x3] =	wrdreg s6  }
0xac: {  	[dreg:$0x4] =	wrdreg $0xC0  }
0xad: {  	_ =	task [dreg:s9], $0x5FFFF  }
0xae: {  	[dreg:$0x1] =	wrdreg $0xFFFFFFFF  }
0xaf: {  	[dreg:$0x0] =	wrdreg $0x60  }
0xb0: {  	[dreg:$0x2] =	wrdreg s2  }
0xb1: {  	[dreg:$0x3] =	wrdreg s19  }
0xb2: {  	[dreg:$0x4] =	wrdreg s4  }
0xb3: {  	[dreg:$0x5] =	wrdreg $0x9  }
0xb4: {  	_ =	task.clear_ibuf [dreg:s9], $0x6FFFF;
	_ =	strace $0x90000046  }
0xb5: {  	s29 =	simm.s32 $0x9;
	_ =	strace $0x80000048  }
0xb6: {  	_ =	swait.ge [sflag:s29], $0x1  }
0xb7: {  	[sflag:s29] =	ssyncadd.s32 $0xFFFFFFFF  }
0xb8: {  	_ =	strace $0x90000048  }
0xb9: {  	_ =	sfence  }
0xba: {  	s30 =	sld [smem:$0x0];
	_ =	sdelay $0x2  }
0xbb: {  	s31 =	sshll.u32 s1, $0xD;
	s1 =	sshrl.u32 s1, $0x2  }
0xbc: {  	s3 =	sand.u32 $0x4000, s31;
	s1 =	sadd.s32 s1, s30  }
0xbd: {  	s0 =	sor.u32 s3, s0;
	s1 =	sshll.u32 s1, $0x11  }
0xbe: {  	s0 =	sor.u32 s1, s0  }
0xbf: {  	s0 =	sadd.s32 $0x8F2B, s0  }
0xc0: {  	[sflag:s0] =	ssyncadd.remote.s32 $0x1  }
0xc1: {  	_ =	sfence.sel $0xFFFF  }
0xc2: {  	[dreg:$0x0] =	wrdreg $0xFFFFFFFF;
	(pc) =	sbr.abs _section_cstart, $3  }
0xc3: {  	[dreg:$0x1] =	wrdreg $0xFFFFFFFF  }
0xc4: {  	_ =	task.clear_ibuf [dreg:s9], $0x2FFFF;
	_ =	strace $0x9FFFFFFF  }
0xc5: {  	(tm) =	ssettm $0x7FFFFFFF  }
tec
execute0_lowered:
.L_overlay_start_1:
0x0: {  	(tag) =	ssettag $0x1  }
0x1: {  	s6 =	stileid.u32  }
0x2: {  	s0 =	srdreg.scid;
	s1 =	sshll.u32 s6, $0x1  }
0x3: {  	s0 =	sand.u32 $0x1, s0;
	s1 =	sand.u32 $0x6, s1  }
0x4: {  	s3 =	rddreg [dreg:$0x0];
	s1 =	sor.u32 s0, s1  }
0x5: {  	s2 =	rddreg [dreg:$0x1];
	s1 =	smul.u32 $0x48, s1  }
0x6: {  	s4 =	rddreg [dreg:$0x2];
	s6 =	sshrl.u32 s6, $0x2;
	s0 =	ssub.s32 $0x2, s0  }
0x7: {  	s8 =	smul.u32 $0x6C0000, s6;
	s9 =	sshrl.u32 s0, $0x1;
	s5 =	sshrl.u32 s1, $0x3  }
0x8: {  	s0 =	ssub.s32 s0, s9;
	s7 =	smul.u32 $0x1800, s5;
	s5 =	simm.s32 $0x0  }
0x9: {  	s0 =	smax.u32 s0, $0x1;
	[smem:$0x7FF] =	sst s5  }
0xa: {  	_ =	strace $0x80000047;
	s8 =	sadd.s32 s8, s7;
	s7 =	sshrl.u32 s7, $0x3  }
0xb: {  	[dreg:$0x6] =	wrdreg s0;
	s8 =	sshrl.u32 s8, $0x3;
	s2 =	sadd.s32 s2, s7  }
0xc: {  	s13 =	simm.s32 $0x4;
	s8 =	sadd.s32 s3, s8;
	[dreg:$0x5] =	wrdreg s2  }
0xd: {  	s14 =	simm.s32 $0x0;
	s6 =	sshll.u32 s6, $0x4;
	[dreg:$0x4] =	wrdreg s8  }
.LBB2_1:
0xe: {  	s0 =	rddreg [dreg:$0x4];
	s2 =	simm.s32 $0xD800  }
0xf: {  	[tilespmem:s2], [sflag:$0x1] =	stream.linear.gather [hbm4b:s0+s5], $0x4800, $0x38;
	[tilespmem:$0x1F800] =	vst v63  }
0x10: {  	s30 =	rddreg [dreg:$0x5];
	s31 =	simm.s32 $0x5  }
0x11: {  	[tilespmem:s5], [sflag:$0x5] =	stream.linear.gather [hbm4b:s30+s5], $0xD800, $0x38;
	[tilespmem:$0x1F800] =	vst v63  }
0x12: {  	_ =	swait.ge [sflag:s31], $0xD800  }
0x13: {  	s15 =	simm.s32 $0x0;
	[sflag:s31] =	ssyncset.done $0x0  }
0x14: {  	s16 =	simm.s32 $0x0;
	s17 =	simm.s32 $0x0;
	[sflag:s31] =	ssyncadd.s32 $0xFFFF2800  }
.LBB2_2:
0x15: {  	s28 =	smov.u32 s17  }
0x16: {  	s17 =	sadd.s32 $0x1, s17;
	p0 =	seq.s32 s28, $0x2F  }
0x17: {  	s0 =	smul.u32 @!p0 $0xAB, s17;
	_ =	sdelay $0x1  }
0x18: {  	s0 =	sshrl.u32 @!p0 s0, $0x9  }
0x19: {  	s0 =	sand.u32 @!p0 $0x7F, s0  }
0x1a: {  	s2 =	smul.u32 @!p0 $0x3, s0;
	_ =	sdelay $0x1  }
0x1b: {  	s2 =	ssub.s32 @!p0 s17, s2  }
0x1c: {  	s2 =	smul.u32 @!p0 $0x18, s2;
	_ =	sdelay $0x1  }
0x1d: {  	s7 =	sand.u32 $0xFF, s15;
	s2 =	sand.u32 @!p0 $0xF8, s2  }
0x1e: {  	s7 =	smul.u32 $0xAB, s7;
	s0 =	sadd.s32 @!p0 s0, s6;
	s2 =	sadd.s32 @!p0 s2, s1  }
0x1f: {  	s0 =	smul.u32 @!p0 $0x6C000, s0;
	s2 =	sshrl.u32 @!p0 s2, $0x3  }
0x20: {  	s8 =	sand.u32 @!p0 $0x1, s17;
	s2 =	smul.u32 @!p0 $0x1800, s2  }
0x21: {  	s20 =	simm.s32 $0x0;
	s18 =	sand.u32 $0x1, s28;
	s9 =	smul.u32 @!p0 $0x12000, s8  }
0x22: {  	s7 =	sshrl.u32 s7, $0x9;
	s8 =	sadd.s32 @!p0 $0x1, s8;
	s0 =	sadd.s32 @!p0 s0, s2  }
0x23: {  	s12 =	smul.u32 $0x48, s7;
	s2 =	sshrl.u32 @!p0 s9, $0x2;
	s0 =	sshrl.u32 @!p0 s0, $0x3  }
0x24: {  	s9 =	simm.s32 @!p0 $0x0;
	s2 =	sadd.s32 @!p0 $0xD800, s2;
	s0 =	sadd.s32 @!p0 s3, s0  }
0x25: {  	[tilespmem:s2], [sflag:s8] =	stream.linear.gather @!p0 [hbm4b:s0+s9], $0x4800, $0x38;
	[tilespmem:$0x1F800] =	vst v63  }
0x26: {  	s19 =	sadd.s32 $0x1, s18;
	s26 =	smul.u32 $0x4800, s18;
	s0 =	ssub.s32 s16, s12  }
0x27: {  	p0 =	slt.u32 s28, $0x2;
	_ =	swait.ge [sflag:s19], $0x4800;
	s24 =	sand.u32 $0xFF, s0  }
0x28: {  	s9 =	sadd.s32 @!p0 $0x3, s18;
	[sflag:s19] =	ssyncset.done $0x0;
	s21 =	sadd.s32 $0x0, s24  }
0x29: {  	s0 =	smul.u32 $0x1800, s20;
	[sflag:s19] =	ssyncadd.s32 $0xFFFFB800;
	s2 =	sshrl.u32 s21, $0x3  }
0x2a: {  	s22 =	simm.s32 $0x0;
	_ =	swait.ge @!p0 [sflag:s9], $0x4800;
	s2 =	smul.u32 $0x6000, s2  }
0x2b: {  	s8 =	sand.u32 $0x380, s22;
	s23 =	sadd.s32 s26, s0;
	[sflag:s9] =	ssyncset.done @!p0 $0x0  }
0x2c: {  	s25 =	sor.u32 s8, s23;
	[sflag:s9] =	ssyncadd.s32 @!p0 $0xFFFFB800;
	s12 =	sshra.s32 s2, $0x2  }
0x2d: {  	v0 =	vld [tilespmem:s25+$0xD800];
	s29 =	sor.u32 s8, s12  }
0x2e: {  	v1 =	vld [tilespmem:s29+$0x0];
	_ =	sdelay $0x4  }
0x2f: {  	v0 =	vadd.f32 v1, v0;
	_ =	sdelay $0x1  }
0x30: {  	[tilespmem:s25+$0x16800] =	vst v0;
	v0 =	vld [tilespmem:s25+$0xD810]  }
0x31: {  	v1 =	vld [tilespmem:s29+$0x10];
	_ =	sdelay $0x4  }
0x32: {  	v0 =	vadd.f32 v1, v0;
	_ =	sdelay $0x1  }
0x33: {  	[tilespmem:s25+$0x16810] =	vst v0;
	v0 =	vld [tilespmem:s25+$0xD820]  }
0x34: {  	v1 =	vld [tilespmem:s29+$0x20];
	_ =	sdelay $0x4  }
0x35: {  	v0 =	vadd.f32 v1, v0;
	_ =	sdelay $0x1  }
0x36: {  	[tilespmem:s25+$0x16820] =	vst v0;
	v0 =	vld [tilespmem:s25+$0xD830]  }
0x37: {  	v1 =	vld [tilespmem:s29+$0x30];
	_ =	sdelay $0x4  }
0x38: {  	v0 =	vadd.f32 v1, v0;
	_ =	sdelay $0x1  }
0x39: {  	[tilespmem:s25+$0x16830] =	vst v0;
	v0 =	vld [tilespmem:s25+$0xD840]  }
0x3a: {  	v1 =	vld [tilespmem:s29+$0x40];
	_ =	sdelay $0x4  }
0x3b: {  	v0 =	vadd.f32 v1, v0;
	_ =	sdelay $0x1  }
0x3c: {  	[tilespmem:s25+$0x16840] =	vst v0;
	v0 =	vld [tilespmem:s25+$0xD850]  }
0x3d: {  	v1 =	vld [tilespmem:s29+$0x50];
	_ =	sdelay $0x4  }
0x3e: {  	v0 =	vadd.f32 v1, v0;
	_ =	sdelay $0x1  }
0x3f: {  	[tilespmem:s25+$0x16850] =	vst v0;
	v0 =	vld [tilespmem:s25+$0xD860]  }
0x40: {  	v1 =	vld [tilespmem:s29+$0x60];
	_ =	sdelay $0x4  }
0x41: {  	v0 =	vadd.f32 v1, v0;
	_ =	sdelay $0x1  }
0x42: {  	[tilespmem:s25+$0x16860] =	vst v0;
	v0 =	vld [tilespmem:s25+$0xD870]  }
0x43: {  	v1 =	vld [tilespmem:s29+$0x70];
	_ =	sdelay $0x4  }
0x44: {  	v0 =	vadd.f32 v1, v0;
	_ =	sdelay $0x1  }
0x45: {  	[tilespmem:s25+$0x16870] =	vst v0;
	v0 =	vld [tilespmem:s25+$0xDC00]  }
0x46: {  	v1 =	vld [tilespmem:s29+$0x400];
	_ =	sdelay $0x4  }
0x47: {  	v0 =	vadd.f32 v1, v0;
	_ =	sdelay $0x1  }
0x48: {  	[tilespmem:s25+$0x16C00] =	vst v0;
	v0 =	vld [tilespmem:s25+$0xDC10]  }
0x49: {  	v1 =	vld [tilespmem:s29+$0x410];
	_ =	sdelay $0x4  }
0x4a: {  	v0 =	vadd.f32 v1, v0;
	_ =	sdelay $0x1  }
0x4b: {  	[tilespmem:s25+$0x16C10] =	vst v0;
	v0 =	vld [tilespmem:s25+$0xDC20]  }
0x4c: {  	v1 =	vld [tilespmem:s29+$0x420];
	_ =	sdelay $0x4  }
0x4d: {  	v0 =	vadd.f32 v1, v0;
	_ =	sdelay $0x1  }
0x4e: {  	[tilespmem:s25+$0x16C20] =	vst v0;
	v0 =	vld [tilespmem:s25+$0xDC30]  }
0x4f: {  	s20 =	sadd.s32 $0x1, s24;
	s19 =	simm.s32 $0x0;
	v1 =	vld [tilespmem:s29+$0x430]  }
0x50: {  	s0 =	smul.u32 $0x1800, s19;
	s2 =	sshrl.u32 s20, $0x3  }
0x51: {  	s21 =	simm.s32 $0x80;
	s11 =	smul.u32 $0x6000, s2  }
0x52: {  	s0 =	sadd.s32 s26, s0;
	s2 =	sand.u32 $0x380, s21  }
0x53: {  	s10 =	sor.u32 s2, s0;
	s11 =	sshra.s32 s11, $0x2  }
0x54: {  	v2 =	vld [tilespmem:s10+$0xD800];
	s19 =	sor.u32 s2, s11;
	v0 =	vadd.f32 v1, v0  }
0x55: {  	v1 =	vld [tilespmem:s19+$0x0]  }
0x56: {  	[tilespmem:s25+$0x16C30] =	vst v0;
	v0 =	vld [tilespmem:s25+$0xDC40]  }
0x57: {  	v3 =	vld [tilespmem:s29+$0x440];
	_ =	sdelay $0x2  }
0x58: {  	v1 =	vadd.f32 v1, v2;
	_ =	sdelay $0x1  }
0x59: {  	[tilespmem:s10+$0x16800] =	vst v1;
	v1 =	vld [tilespmem:s10+$0xD810];
	v0 =	vadd.f32 v3, v0  }
0x5a: {  	v2 =	vld [tilespmem:s19+$0x10]  }
0x5b: {  	[tilespmem:s25+$0x16C40] =	vst v0;
	v0 =	vld [tilespmem:s25+$0xDC50]  }
0x5c: {  	v3 =	vld [tilespmem:s29+$0x450];
	_ =	sdelay $0x2  }
0x5d: {  	v1 =	vadd.f32 v2, v1;
	_ =	sdelay $0x1  }
0x5e: {  	[tilespmem:s10+$0x16810] =	vst v1;
	v1 =	vld [tilespmem:s10+$0xD820];
	v0 =	vadd.f32 v3, v0  }
0x5f: {  	v2 =	vld [tilespmem:s19+$0x20]  }
0x60: {  	[tilespmem:s25+$0x16C50] =	vst v0;
	v0 =	vld [tilespmem:s25+$0xDC60]  }
0x61: {  	v3 =	vld [tilespmem:s29+$0x460];
	_ =	sdelay $0x2  }
0x62: {  	v1 =	vadd.f32 v2, v1;
	_ =	sdelay $0x1  }
0x63: {  	[tilespmem:s10+$0x16820] =	vst v1;
	v1 =	vld [tilespmem:s10+$0xD830];
	v0 =	vadd.f32 v3, v0  }
0x64: {  	v2 =	vld [tilespmem:s19+$0x30]  }
0x65: {  	[tilespmem:s25+$0x16C60] =	vst v0;
	v0 =	vld [tilespmem:s25+$0xDC70]  }
0x66: {  	v3 =	vld [tilespmem:s29+$0x470];
	_ =	sdelay $0x2  }
0x67: {  	v1 =	vadd.f32 v2, v1;
	_ =	sdelay $0x1  }
0x68: {  	[tilespmem:s10+$0x16830] =	vst v1;
	v1 =	vld [tilespmem:s10+$0xD840];
	v0 =	vadd.f32 v3, v0  }
0x69: {  	v2 =	vld [tilespmem:s19+$0x40]  }
0x6a: {  	s20 =	sadd.s32 s8, s23;
	[tilespmem:s25+$0x16C70] =	vst v0  }
0x6b: {  	v0 =	vld [tilespmem:s20+$0xE000]  }
0x6c: {  	v3 =	vld [tilespmem:s29+$0x800];
	_ =	sdelay $0x1  }
0x6d: {  	v1 =	vadd.f32 v2, v1;
	_ =	sdelay $0x1  }
0x6e: {  	[tilespmem:s10+$0x16840] =	vst v1;
	v1 =	vld [tilespmem:s10+$0xD850]  }
0x6f: {  	v0 =	vadd.f32 v3, v0;
	v2 =	vld [tilespmem:s19+$0x50];
	_ =	sdelay $0x1  }
0x70: {  	[tilespmem:s20+$0x17000] =	vst v0;
	v0 =	vld [tilespmem:s20+$0xE010]  }
0x71: {  	v3 =	vld [tilespmem:s29+$0x810];
	_ =	sdelay $0x1  }
0x72: {  	v1 =	vadd.f32 v2, v1;
	_ =	sdelay $0x1  }
0x73: {  	[tilespmem:s10+$0x16850] =	vst v1;
	v1 =	vld [tilespmem:s10+$0xD860]  }
0x74: {  	v0 =	vadd.f32 v3, v0;
	v2 =	vld [tilespmem:s19+$0x60];
	_ =	sdelay $0x1  }
0x75: {  	[tilespmem:s20+$0x17010] =	vst v0;
	v0 =	vld [tilespmem:s20+$0xE020]  }
0x76: {  	v3 =	vld [tilespmem:s29+$0x820];
	_ =	sdelay $0x1  }
0x77: {  	v1 =	vadd.f32 v2, v1;
	_ =	sdelay $0x1  }
0x78: {  	[tilespmem:s10+$0x16860] =	vst v1;
	v1 =	vld [tilespmem:s10+$0xD870]  }
0x79: {  	v0 =	vadd.f32 v3, v0;
	v2 =	vld [tilespmem:s19+$0x70];
	_ =	sdelay $0x1  }
0x7a: {  	[tilespmem:s20+$0x17020] =	vst v0;
	v0 =	vld [tilespmem:s20+$0xE030]  }
0x7b: {  	v3 =	vld [tilespmem:s29+$0x830];
	_ =	sdelay $0x1  }
0x7c: {  	v1 =	vadd.f32 v2, v1;
	_ =	sdelay $0x1  }
0x7d: {  	[tilespmem:s10+$0x16870] =	vst v1;
	v1 =	vld [tilespmem:s10+$0xDC00]  }
0x7e: {  	v0 =	vadd.f32 v3, v0;
	v2 =	vld [tilespmem:s19+$0x400];
	_ =	sdelay $0x1  }
0x7f: {  	[tilespmem:s20+$0x17030] =	vst v0;
	v0 =	vld [tilespmem:s20+$0xE040]  }
0x80: {  	v3 =	vld [tilespmem:s29+$0x840];
	_ =	sdelay $0x1  }
0x81: {  	v1 =	vadd.f32 v2, v1;
	_ =	sdelay $0x1  }
0x82: {  	[tilespmem:s10+$0x16C00] =	vst v1;
	v1 =	vld [tilespmem:s10+$0xDC10]  }
0x83: {  	v0 =	vadd.f32 v3, v0;
	v2 =	vld [tilespmem:s19+$0x410];
	_ =	sdelay $0x1  }
0x84: {  	[tilespmem:s20+$0x17040] =	vst v0;
	v0 =	vld [tilespmem:s20+$0xE050]  }
0x85: {  	v3 =	vld [tilespmem:s29+$0x850];
	_ =	sdelay $0x1  }
0x86: {  	v1 =	vadd.f32 v2, v1;
	_ =	sdelay $0x1  }
0x87: {  	[tilespmem:s10+$0x16C10] =	vst v1;
	v1 =	vld [tilespmem:s10+$0xDC20]  }
0x88: {  	v0 =	vadd.f32 v3, v0;
	v2 =	vld [tilespmem:s19+$0x420];
	_ =	sdelay $0x1  }
0x89: {  	[tilespmem:s20+$0x17050] =	vst v0;
	v0 =	vld [tilespmem:s20+$0xE060]  }
0x8a: {  	v3 =	vld [tilespmem:s29+$0x860];
	_ =	sdelay $0x1  }
0x8b: {  	v1 =	vadd.f32 v2, v1;
	_ =	sdelay $0x1  }
0x8c: {  	[tilespmem:s10+$0x16C20] =	vst v1;
	v1 =	vld [tilespmem:s10+$0xDC30]  }
0x8d: {  	s22 =	simm.s32 $0x0;
	s23 =	sadd.s32 $0x2, s24;
	v0 =	vadd.f32 v3, v0;
	v2 =	vld [tilespmem:s19+$0x430]  }
0x8e: {  	s7 =	smul.u32 $0x1800, s22;
	s8 =	sshrl.u32 s23, $0x3  }
0x8f: {  	s9 =	simm.s32 $0x100;
	s25 =	smul.u32 $0x6000, s8;
	[tilespmem:s20+$0x17060] =	vst v0;
	v0 =	vld [tilespmem:s20+$0xE070]  }
0x90: {  	s7 =	sadd.s32 s26, s7;
	s8 =	sand.u32 $0x380, s9;
	v3 =	vld [tilespmem:s29+$0x870]  }
0x91: {  	s9 =	sor.u32 s8, s7;
	s11 =	sshra.s32 s25, $0x2  }
0x92: {  	v4 =	vld [tilespmem:s9+$0xD800];
	s21 =	sor.u32 s8, s11;
	v1 =	vadd.f32 v2, v1  }
0x93: {  	v2 =	vld [tilespmem:s21+$0x0]  }
0x94: {  	[tilespmem:s10+$0x16C30] =	vst v1;
	v1 =	vld [tilespmem:s10+$0xDC40]  }
0x95: {  	v0 =	vadd.f32 v3, v0;
	v3 =	vld [tilespmem:s19+$0x440];
	_ =	sdelay $0x1  }
0x96: {  	[tilespmem:s20+$0x17070] =	vst v0;
	v0 =	vld [tilespmem:s20+$0xE400]  }
0x97: {  	v2 =	vadd.f32 v2, v4;
	v5 =	vld [tilespmem:s29+$0xC00];
	_ =	sdelay $0x1  }
0x98: {  	[tilespmem:s9+$0x16800] =	vst v2;
	v2 =	vld [tilespmem:s9+$0xD810];
	v1 =	vadd.f32 v3, v1  }
0x99: {  	v3 =	vld [tilespmem:s21+$0x10]  }
0x9a: {  	[tilespmem:s10+$0x16C40] =	vst v1;
	v1 =	vld [tilespmem:s10+$0xDC50]  }
0x9b: {  	v0 =	vadd.f32 v5, v0;
	v4 =	vld [tilespmem:s19+$0x450];
	_ =	sdelay $0x1  }
0x9c: {  	[tilespmem:s20+$0x17400] =	vst v0;
	v0 =	vld [tilespmem:s20+$0xE410]  }
0x9d: {  	v2 =	vadd.f32 v3, v2;
	v3 =	vld [tilespmem:s29+$0xC10];
	_ =	sdelay $0x1  }
0x9e: {  	[tilespmem:s9+$0x16810] =	vst v2;
	v2 =	vld [tilespmem:s9+$0xD820];
	v1 =	vadd.f32 v4, v1  }
0x9f: {  	v4 =	vld [tilespmem:s21+$0x20]  }
0xa0: {  	[tilespmem:s10+$0x16C50] =	vst v1;
	v1 =	vld [tilespmem:s10+$0xDC60]  }
0xa1: {  	v5 =	vld [tilespmem:s19+$0x460];
	v0 =	vadd.f32 v3, v0;
	_ =	sdelay $0x1  }
0xa2: {  	[tilespmem:s20+$0x17410] =	vst v0;
	v0 =	vld [tilespmem:s20+$0xE420]  }
0xa3: {  	v2 =	vadd.f32 v4, v2;
	v3 =	vld [tilespmem:s29+$0xC20];
	_ =	sdelay $0x1  }
0xa4: {  	[tilespmem:s9+$0x16820] =	vst v2;
	v2 =	vld [tilespmem:s9+$0xD830];
	v1 =	vadd.f32 v5, v1  }
0xa5: {  	v4 =	vld [tilespmem:s21+$0x30]  }
0xa6: {  	[tilespmem:s10+$0x16C60] =	vst v1;
	v1 =	vld [tilespmem:s10+$0xDC70]  }
0xa7: {  	v5 =	vld [tilespmem:s19+$0x470];
	v0 =	vadd.f32 v3, v0;
	_ =	sdelay $0x1  }
0xa8: {  	[tilespmem:s20+$0x17420] =	vst v0;
	v0 =	vld [tilespmem:s20+$0xE430]  }
0xa9: {  	v2 =	vadd.f32 v4, v2;
	v3 =	vld [tilespmem:s29+$0xC30];
	_ =	sdelay $0x1  }
0xaa: {  	[tilespmem:s9+$0x16830] =	vst v2;
	v2 =	vld [tilespmem:s9+$0xD840];
	v1 =	vadd.f32 v5, v1  }
0xab: {  	v4 =	vld [tilespmem:s21+$0x40]  }
0xac: {  	s22 =	sadd.s32 s2, s0;
	[tilespmem:s10+$0x16C70] =	vst v1  }
0xad: {  	v1 =	vld [tilespmem:s22+$0xE000];
	v0 =	vadd.f32 v3, v0  }
0xae: {  	v5 =	vld [tilespmem:s19+$0x800]  }
0xaf: {  	v3 =	vld [tilespmem:s20+$0xE440];
	[tilespmem:s20+$0x17430] =	vst v0  }
0xb0: {  	v0 =	vadd.f32 v4, v2;
	v2 =	vld [tilespmem:s29+$0xC40];
	_ =	sdelay $0x2  }
0xb1: {  	[tilespmem:s9+$0x16840] =	vst v0;
	v0 =	vld [tilespmem:s9+$0xD850];
	v1 =	vadd.f32 v5, v1  }
0xb2: {  	v4 =	vld [tilespmem:s21+$0x50]  }
0xb3: {  	[tilespmem:s22+$0x17000] =	vst v1;
	v1 =	vld [tilespmem:s22+$0xE010];
	v2 =	vadd.f32 v2, v3  }
0xb4: {  	v5 =	vld [tilespmem:s19+$0x810]  }
0xb5: {  	v3 =	vld [tilespmem:s20+$0xE450];
	[tilespmem:s20+$0x17440] =	vst v2  }
0xb6: {  	v2 =	vld [tilespmem:s29+$0xC50]  }
0xb7: {  	v0 =	vadd.f32 v4, v0;
	_ =	sdelay $0x1  }
0xb8: {  	[tilespmem:s9+$0x16850] =	vst v0;
	v0 =	vld [tilespmem:s9+$0xD860];
	v1 =	vadd.f32 v5, v1  }
0xb9: {  	v4 =	vld [tilespmem:s21+$0x60]  }
0xba: {  	[tilespmem:s22+$0x17010] =	vst v1;
	v1 =	vld [tilespmem:s22+$0xE020];
	v2 =	vadd.f32 v2, v3  }
0xbb: {  	v5 =	vld [tilespmem:s19+$0x820]  }
0xbc: {  	v3 =	vld [tilespmem:s20+$0xE460];
	[tilespmem:s20+$0x17450] =	vst v2  }
0xbd: {  	v2 =	vld [tilespmem:s29+$0xC60]  }
0xbe: {  	v0 =	vadd.f32 v4, v0;
	_ =	sdelay $0x1  }
0xbf: {  	[tilespmem:s9+$0x16860] =	vst v0;
	v0 =	vld [tilespmem:s9+$0xD870];
	v1 =	vadd.f32 v5, v1  }
0xc0: {  	v4 =	vld [tilespmem:s21+$0x70]  }
0xc1: {  	[tilespmem:s22+$0x17020] =	vst v1;
	v1 =	vld [tilespmem:s22+$0xE030];
	v2 =	vadd.f32 v2, v3  }
0xc2: {  	v5 =	vld [tilespmem:s19+$0x830]  }
0xc3: {  	v3 =	vld [tilespmem:s20+$0xE470];
	[tilespmem:s20+$0x17460] =	vst v2  }
0xc4: {  	v2 =	vld [tilespmem:s29+$0xC70]  }
0xc5: {  	v0 =	vadd.f32 v4, v0;
	_ =	sdelay $0x1  }
0xc6: {  	[tilespmem:s9+$0x16870] =	vst v0;
	v0 =	vld [tilespmem:s9+$0xDC00];
	v1 =	vadd.f32 v5, v1  }
0xc7: {  	v4 =	vld [tilespmem:s21+$0x400]  }
0xc8: {  	[tilespmem:s22+$0x17030] =	vst v1;
	v1 =	vld [tilespmem:s22+$0xE040];
	v2 =	vadd.f32 v2, v3  }
0xc9: {  	v5 =	vld [tilespmem:s19+$0x840]  }
0xca: {  	v3 =	vld [tilespmem:s20+$0xE800];
	[tilespmem:s20+$0x17470] =	vst v2  }
0xcb: {  	v2 =	vld [tilespmem:s29+$0x1000]  }
0xcc: {  	v0 =	vadd.f32 v4, v0;
	_ =	sdelay $0x1  }
0xcd: {  	[tilespmem:s9+$0x16C00] =	vst v0;
	v0 =	vld [tilespmem:s9+$0xDC10];
	v1 =	vadd.f32 v5, v1  }
0xce: {  	v4 =	vld [tilespmem:s21+$0x410]  }
0xcf: {  	[tilespmem:s22+$0x17040] =	vst v1;
	v1 =	vld [tilespmem:s22+$0xE050];
	v2 =	vadd.f32 v2, v3  }
0xd0: {  	v3 =	vld [tilespmem:s19+$0x850]  }
0xd1: {  	v5 =	vld [tilespmem:s20+$0xE810];
	[tilespmem:s20+$0x17800] =	vst v2  }
0xd2: {  	v2 =	vld [tilespmem:s29+$0x1010]  }
0xd3: {  	v0 =	vadd.f32 v4, v0;
	_ =	sdelay $0x1  }
0xd4: {  	[tilespmem:s9+$0x16C10] =	vst v0;
	v0 =	vld [tilespmem:s9+$0xDC20];
	v1 =	vadd.f32 v3, v1  }
0xd5: {  	v3 =	vld [tilespmem:s21+$0x420]  }
0xd6: {  	[tilespmem:s22+$0x17050] =	vst v1;
	v1 =	vadd.f32 v2, v5;
	v2 =	vld [tilespmem:s22+$0xE060]  }
0xd7: {  	v5 =	vld [tilespmem:s19+$0x860]  }
0xd8: {  	v4 =	vld [tilespmem:s20+$0xE820];
	[tilespmem:s20+$0x17810] =	vst v1  }
0xd9: {  	v1 =	vld [tilespmem:s29+$0x1020]  }
0xda: {  	v0 =	vadd.f32 v3, v0;
	_ =	sdelay $0x1  }
0xdb: {  	[tilespmem:s9+$0x16C20] =	vst v0;
	v0 =	vld [tilespmem:s9+$0xDC30];
	v2 =	vadd.f32 v5, v2  }
0xdc: {  	s12 =	sadd.s32 $0x3, s24;
	s11 =	simm.s32 $0x0;
	v3 =	vld [tilespmem:s21+$0x430]  }
0xdd: {  	s2 =	sshrl.u32 s12, $0x3;
	s0 =	smul.u32 $0x1800, s11;
	[tilespmem:s22+$0x17060] =	vst v2;
	v2 =	vld [tilespmem:s22+$0xE070];
	v1 =	vadd.f32 v1, v4  }
0xde: {  	s23 =	smul.u32 $0x6000, s2;
	s25 =	simm.s32 $0x180;
	v5 =	vld [tilespmem:s19+$0x870]  }
0xdf: {  	s2 =	sand.u32 $0x380, s25;
	s31 =	sadd.s32 s26, s0;
	v4 =	vld [tilespmem:s20+$0xE830];
	[tilespmem:s20+$0x17820] =	vst v1  }
0xe0: {  	s0 =	sor.u32 s2, s31;
	s10 =	sshra.s32 s23, $0x2;
	v1 =	vld [tilespmem:s29+$0x1030]  }
0xe1: {  	v6 =	vld [tilespmem:s0+$0xD800];
	s23 =	sor.u32 s2, s10;
	v0 =	vadd.f32 v3, v0  }
0xe2: {  	v3 =	vld [tilespmem:s23+$0x0]  }
0xe3: {  	[tilespmem:s9+$0x16C30] =	vst v0;
	v0 =	vld [tilespmem:s9+$0xDC40];
	v2 =	vadd.f32 v5, v2  }
0xe4: {  	v5 =	vld [tilespmem:s21+$0x440]  }
0xe5: {  	[tilespmem:s22+$0x17070] =	vst v2;
	v2 =	vld [tilespmem:s20+$0xE840];
	v1 =	vadd.f32 v1, v4  }
0xe6: {  	v4 =	vld [tilespmem:s22+$0xE400]  }
0xe7: {  	v3 =	vadd.f32 v3, v6;
	[tilespmem:s20+$0x17830] =	vst v1;
	v1 =	vld [tilespmem:s19+$0xC00]  }
0xe8: {  	v6 =	vld [tilespmem:s29+$0x1040]  }
0xe9: {  	[tilespmem:s0+$0x16800] =	vst v3;
	v3 =	vld [tilespmem:s0+$0xD810];
	v0 =	vadd.f32 v5, v0  }
0xea: {  	v5 =	vld [tilespmem:s23+$0x10]  }
0xeb: {  	[tilespmem:s9+$0x16C40] =	vst v0;
	v0 =	vld [tilespmem:s9+$0xDC50]  }
0xec: {  	v1 =	vadd.f32 v1, v4;
	v4 =	vld [tilespmem:s21+$0x450]  }
0xed: {  	v2 =	vadd.f32 v6, v2;
	v6 =	vld [tilespmem:s20+$0xE850]  }
0xee: {  	[tilespmem:s22+$0x17400] =	vst v1;
	v1 =	vld [tilespmem:s22+$0xE410]  }
0xef: {  	v3 =	vadd.f32 v5, v3;
	v5 =	vld [tilespmem:s19+$0xC10];
	[tilespmem:s20+$0x17840] =	vst v2  }
0xf0: {  	v2 =	vld [tilespmem:s29+$0x1050]  }
0xf1: {  	[tilespmem:s0+$0x16810] =	vst v3;
	v3 =	vld [tilespmem:s0+$0xD820];
	v0 =	vadd.f32 v4, v0  }
0xf2: {  	v4 =	vld [tilespmem:s23+$0x20]  }
0xf3: {  	[tilespmem:s9+$0x16C50] =	vst v0;
	v0 =	vld [tilespmem:s9+$0xDC60]  }
0xf4: {  	v1 =	vadd.f32 v5, v1;
	v5 =	vld [tilespmem:s21+$0x460]  }
0xf5: {  	v2 =	vadd.f32 v2, v6;
	v6 =	vld [tilespmem:s20+$0xE860]  }
0xf6: {  	[tilespmem:s22+$0x17410] =	vst v1;
	v1 =	vld [tilespmem:s22+$0xE420]  }
0xf7: {  	v3 =	vadd.f32 v4, v3;
	v4 =	vld [tilespmem:s19+$0xC20];
	[tilespmem:s20+$0x17850] =	vst v2  }
0xf8: {  	v2 =	vld [tilespmem:s29+$0x1060]  }
0xf9: {  	[tilespmem:s0+$0x16820] =	vst v3;
	v3 =	vld [tilespmem:s0+$0xD830];
	v0 =	vadd.f32 v5, v0  }
0xfa: {  	v5 =	vld [tilespmem:s23+$0x30]  }
0xfb: {  	[tilespmem:s9+$0x16C60] =	vst v0;
	v0 =	vld [tilespmem:s9+$0xDC70]  }
0xfc: {  	v1 =	vadd.f32 v4, v1;
	v4 =	vld [tilespmem:s21+$0x470]  }
0xfd: {  	v2 =	vadd.f32 v2, v6;
	v6 =	vld [tilespmem:s20+$0xE870]  }
0xfe: {  	[tilespmem:s22+$0x17420] =	vst v1;
	v1 =	vld [tilespmem:s22+$0xE430]  }
0xff: {  	v3 =	vadd.f32 v5, v3;
	v5 =	vld [tilespmem:s19+$0xC30];
	[tilespmem:s20+$0x17860] =	vst v2  }
0x100: {  	v2 =	vld [tilespmem:s29+$0x1070]  }
0x101: {  	[tilespmem:s0+$0x16830] =	vst v3;
	v3 =	vld [tilespmem:s0+$0xD840];
	v0 =	vadd.f32 v4, v0  }
0x102: {  	v7 =	vld [tilespmem:s23+$0x40]  }
0x103: {  	s25 =	sadd.s32 s8, s7;
	[tilespmem:s9+$0x16C70] =	vst v0;
	v0 =	vld [tilespmem:s22+$0xE440]  }
0x104: {  	v1 =	vadd.f32 v5, v1;
	v4 =	vld [tilespmem:s25+$0xE000]  }
0x105: {  	v5 =	vld [tilespmem:s21+$0x800];
	v2 =	vadd.f32 v2, v6  }
0x106: {  	v6 =	vld [tilespmem:s20+$0xEC00];
	[tilespmem:s22+$0x17430] =	vst v1  }
0x107: {  	v1 =	vadd.f32 v7, v3;
	v3 =	vld [tilespmem:s19+$0xC40];
	[tilespmem:s20+$0x17870] =	vst v2  }
0x108: {  	v2 =	vld [tilespmem:s29+$0x1400]  }
0x109: {  	[tilespmem:s0+$0x16840] =	vst v1;
	v1 =	vld [tilespmem:s0+$0xD850]  }
0x10a: {  	v7 =	vld [tilespmem:s23+$0x50];
	v4 =	vadd.f32 v5, v4  }
0x10b: {  	v5 =	vld [tilespmem:s22+$0xE450]  }
0x10c: {  	[tilespmem:s25+$0x17000] =	vst v4;
	v0 =	vadd.f32 v3, v0;
	v3 =	vld [tilespmem:s25+$0xE010]  }
0x10d: {  	v4 =	vld [tilespmem:s21+$0x810];
	v2 =	vadd.f32 v2, v6  }
0x10e: {  	v6 =	vld [tilespmem:s20+$0xEC10];
	[tilespmem:s22+$0x17440] =	vst v0  }
0x10f: {  	v0 =	vadd.f32 v7, v1;
	v1 =	vld [tilespmem:s19+$0xC50];
	[tilespmem:s20+$0x17C00] =	vst v2  }
0x110: {  	v2 =	vld [tilespmem:s29+$0x1410]  }
0x111: {  	[tilespmem:s0+$0x16850] =	vst v0;
	v0 =	vld [tilespmem:s0+$0xD860]  }
0x112: {  	v7 =	vld [tilespmem:s23+$0x60];
	v3 =	vadd.f32 v4, v3  }
0x113: {  	v4 =	vld [tilespmem:s22+$0xE460]  }
0x114: {  	[tilespmem:s25+$0x17010] =	vst v3;
	v3 =	vld [tilespmem:s25+$0xE020];
	v1 =	vadd.f32 v1, v5  }
0x115: {  	v5 =	vld [tilespmem:s21+$0x820];
	v2 =	vadd.f32 v2, v6  }
0x116: {  	v6 =	vld [tilespmem:s20+$0xEC20];
	[tilespmem:s22+$0x17450] =	vst v1  }
0x117: {  	v0 =	vadd.f32 v7, v0;
	v1 =	vld [tilespmem:s19+$0xC60];
	[tilespmem:s20+$0x17C10] =	vst v2  }
0x118: {  	v2 =	vld [tilespmem:s29+$0x1420]  }
0x119: {  	[tilespmem:s0+$0x16860] =	vst v0;
	v0 =	vld [tilespmem:s0+$0xD870]  }
0x11a: {  	v7 =	vld [tilespmem:s23+$0x70];
	v3 =	vadd.f32 v5, v3  }
0x11b: {  	v5 =	vld [tilespmem:s22+$0xE470]  }
0x11c: {  	[tilespmem:s25+$0x17020] =	vst v3;
	v3 =	vld [tilespmem:s25+$0xE030];
	v1 =	vadd.f32 v1, v4  }
0x11d: {  	v4 =	vld [tilespmem:s21+$0x830];
	v2 =	vadd.f32 v2, v6  }
0x11e: {  	v6 =	vld [tilespmem:s20+$0xEC30];
	[tilespmem:s22+$0x17460] =	vst v1  }
0x11f: {  	v0 =	vadd.f32 v7, v0;
	v1 =	vld [tilespmem:s19+$0xC70];
	[tilespmem:s20+$0x17C20] =	vst v2  }
0x120: {  	v2 =	vld [tilespmem:s29+$0x1430]  }
0x121: {  	[tilespmem:s0+$0x16870] =	vst v0;
	v0 =	vld [tilespmem:s0+$0xDC00]  }
0x122: {  	v7 =	vld [tilespmem:s23+$0x400];
	v3 =	vadd.f32 v4, v3  }
0x123: {  	v4 =	vld [tilespmem:s22+$0xE800]  }
0x124: {  	[tilespmem:s25+$0x17030] =	vst v3;
	v3 =	vld [tilespmem:s25+$0xE040];
	v1 =	vadd.f32 v1, v5  }
0x125: {  	v5 =	vld [tilespmem:s21+$0x840];
	v2 =	vadd.f32 v2, v6  }
0x126: {  	v6 =	vld [tilespmem:s20+$0xEC40];
	[tilespmem:s22+$0x17470] =	vst v1  }
0x127: {  	v0 =	vadd.f32 v7, v0;
	v1 =	vld [tilespmem:s19+$0x1000];
	[tilespmem:s20+$0x17C30] =	vst v2  }
0x128: {  	v2 =	vld [tilespmem:s29+$0x1440]  }
0x129: {  	[tilespmem:s0+$0x16C00] =	vst v0;
	v0 =	vld [tilespmem:s0+$0xDC10]  }
0x12a: {  	v7 =	vld [tilespmem:s23+$0x410];
	v3 =	vadd.f32 v5, v3  }
0x12b: {  	v5 =	vld [tilespmem:s22+$0xE810]  }
0x12c: {  	[tilespmem:s25+$0x17040] =	vst v3;
	v3 =	vld [tilespmem:s25+$0xE050];
	v1 =	vadd.f32 v1, v4  }
0x12d: {  	v4 =	vld [tilespmem:s21+$0x850];
	v2 =	vadd.f32 v2, v6  }
0x12e: {  	v6 =	vld [tilespmem:s20+$0xEC50];
	[tilespmem:s22+$0x17800] =	vst v1  }
0x12f: {  	v0 =	vadd.f32 v7, v0;
	v1 =	vld [tilespmem:s19+$0x1010];
	[tilespmem:s20+$0x17C40] =	vst v2  }
0x130: {  	v2 =	vld [tilespmem:s29+$0x1450]  }
0x131: {  	[tilespmem:s0+$0x16C10] =	vst v0;
	v0 =	vld [tilespmem:s0+$0xDC20]  }
0x132: {  	v7 =	vld [tilespmem:s23+$0x420];
	v3 =	vadd.f32 v4, v3  }
0x133: {  	v4 =	vld [tilespmem:s22+$0xE820]  }
0x134: {  	[tilespmem:s25+$0x17050] =	vst v3;
	v3 =	vld [tilespmem:s25+$0xE060];
	v1 =	vadd.f32 v1, v5  }
0x135: {  	v5 =	vld [tilespmem:s21+$0x860];
	v2 =	vadd.f32 v2, v6  }
0x136: {  	v6 =	vld [tilespmem:s20+$0xEC60];
	[tilespmem:s22+$0x17810] =	vst v1  }
0x137: {  	v1 =	vld [tilespmem:s19+$0x1020];
	[tilespmem:s20+$0x17C50] =	vst v2  }
0x138: {  	s10 =	smul.u32 $0xAB, s28;
	v0 =	vadd.f32 v7, v0;
	v7 =	vld [tilespmem:s29+$0x1460]  }
0x139: {  	v8 =	vld [tilespmem:s0+$0xDC30]  }
0x13a: {  	s7 =	sshrl.u32 s10, $0x9;
	v2 =	vld [tilespmem:s22+$0xE830]  }
0x13b: {  	s7 =	sand.u32 $0x7F, s7;
	[tilespmem:s0+$0x16C20] =	vst v0;
	v0 =	vld [tilespmem:s20+$0xEC70];
	v3 =	vadd.f32 v5, v3  }
0x13c: {  	s12 =	sadd.s32 $0x4, s24;
	s11 =	simm.s32 $0x0;
	s8 =	smul.u32 $0x3, s7;
	v9 =	vld [tilespmem:s23+$0x430];
	v1 =	vadd.f32 v1, v4  }
0x13d: {  	s10 =	sshrl.u32 s12, $0x3;
	s9 =	smul.u32 $0x1800, s11;
	[tilespmem:s25+$0x17060] =	vst v3;
	v4 =	vld [tilespmem:s25+$0xE070];
	v6 =	vadd.f32 v7, v6  }
0x13e: {  	s8 =	ssub.s32 s28, s8;
	s28 =	smul.u32 $0x6000, s10;
	s10 =	simm.s32 $0x200;
	v5 =	vld [tilespmem:s21+$0x870];
	[tilespmem:s22+$0x17820] =	vst v1  }
0x13f: {  	s30 =	smul.u32 $0x18, s8;
	s8 =	sadd.s32 s26, s9;
	s9 =	sand.u32 $0x380, s10;
	v3 =	vld [tilespmem:s19+$0x1030];
	[tilespmem:s20+$0x17C60] =	vst v6  }
0x140: {  	s28 =	sshra.s32 s28, $0x2;
	s11 =	sor.u32 s9, s8;
	v1 =	vld [tilespmem:s29+$0x1470]  }
0x141: {  	v7 =	vld [tilespmem:s11+$0xD800];
	v6 =	vadd.f32 v9, v8;
	s29 =	sand.u32 $0xF8, s30;
	s30 =	sor.u32 s9, s28  }
0x142: {  	s28 =	sadd.s32 s7, s6;
	s7 =	simm.s32 $0x5;
	s29 =	sadd.s32 s29, s1;
	v8 =	vld [tilespmem:s30+$0x0]  }
.LBB2_3:
0x143: {  	p0 =	sne.s32 s7, $0x17;
	[tilespmem:s0+$0x16C30] =	vst v6;
	v6 =	vld [tilespmem:s0+$0xDC40];
	v4 =	vadd.f32 v5, v4  }
0x144: {  	v5 =	vld [tilespmem:s23+$0x440];
	v2 =	vadd.f32 v3, v2  }
0x145: {  	[tilespmem:s25+$0x17070] =	vst v4;
	v3 =	vld [tilespmem:s22+$0xE840];
	v0 =	vadd.f32 v1, v0  }
0x146: {  	v1 =	vld [tilespmem:s25+$0xE400];
	[tilespmem:s22+$0x17830] =	vst v2  }
0x147: {  	v2 =	vadd.f32 v8, v7;
	v4 =	vld [tilespmem:s21+$0xC00];
	[tilespmem:s20+$0x17C70] =	vst v0;
	s20 =	smov.u32 s22;
	s22 =	smov.u32 s25  }
0x148: {  	v0 =	vld [tilespmem:s19+$0x1040]  }
0x149: {  	[tilespmem:s11+$0x16800] =	vst v2;
	v2 =	vld [tilespmem:s11+$0xD810];
	v5 =	vadd.f32 v5, v6  }
0x14a: {  	v6 =	vld [tilespmem:s30+$0x10]  }
0x14b: {  	[tilespmem:s0+$0x16C40] =	vst v5;
	v5 =	vld [tilespmem:s0+$0xDC50]  }
0x14c: {  	v7 =	vld [tilespmem:s23+$0x450];
	v1 =	vadd.f32 v4, v1  }
0x14d: {  	v0 =	vadd.f32 v0, v3;
	v3 =	vld [tilespmem:s20+$0xE850]  }
0x14e: {  	[tilespmem:s22+$0x17400] =	vst v1;
	v1 =	vld [tilespmem:s22+$0xE410]  }
0x14f: {  	v2 =	vadd.f32 v6, v2;
	v4 =	vld [tilespmem:s21+$0xC10];
	[tilespmem:s20+$0x17840] =	vst v0  }
0x150: {  	v0 =	vld [tilespmem:s19+$0x1050]  }
0x151: {  	[tilespmem:s11+$0x16810] =	vst v2;
	v2 =	vld [tilespmem:s11+$0xD820];
	v5 =	vadd.f32 v7, v5  }
0x152: {  	v6 =	vld [tilespmem:s30+$0x20]  }
0x153: {  	[tilespmem:s0+$0x16C50] =	vst v5;
	v5 =	vld [tilespmem:s0+$0xDC60]  }
0x154: {  	v7 =	vld [tilespmem:s23+$0x460];
	v1 =	vadd.f32 v4, v1  }
0x155: {  	v0 =	vadd.f32 v0, v3;
	v3 =	vld [tilespmem:s20+$0xE860]  }
0x156: {  	[tilespmem:s22+$0x17410] =	vst v1;
	v1 =	vld [tilespmem:s22+$0xE420]  }
0x157: {  	v2 =	vadd.f32 v6, v2;
	v4 =	vld [tilespmem:s21+$0xC20];
	[tilespmem:s20+$0x17850] =	vst v0  }
0x158: {  	v0 =	vld [tilespmem:s19+$0x1060]  }
0x159: {  	[tilespmem:s11+$0x16820] =	vst v2;
	v2 =	vld [tilespmem:s11+$0xD830];
	v5 =	vadd.f32 v7, v5  }
0x15a: {  	v6 =	vld [tilespmem:s30+$0x30]  }
0x15b: {  	[tilespmem:s0+$0x16C60] =	vst v5;
	v5 =	vld [tilespmem:s0+$0xDC70]  }
0x15c: {  	v7 =	vld [tilespmem:s23+$0x470];
	v1 =	vadd.f32 v4, v1  }
0x15d: {  	v0 =	vadd.f32 v0, v3;
	v3 =	vld [tilespmem:s20+$0xE870]  }
0x15e: {  	[tilespmem:s22+$0x17420] =	vst v1;
	v1 =	vld [tilespmem:s22+$0xE430]  }
0x15f: {  	v2 =	vadd.f32 v6, v2;
	v4 =	vld [tilespmem:s21+$0xC30];
	[tilespmem:s20+$0x17860] =	vst v0  }
0x160: {  	v0 =	vld [tilespmem:s19+$0x1070]  }
0x161: {  	[tilespmem:s11+$0x16830] =	vst v2;
	v2 =	vld [tilespmem:s11+$0xD840]  }
0x162: {  	v5 =	vadd.f32 v7, v5;
	v6 =	vld [tilespmem:s30+$0x40]  }
0x163: {  	v7 =	vld [tilespmem:s20+$0xEC00]  }
0x164: {  	s25 =	sadd.s32 s2, s31;
	s31 =	smov.u32 s8;
	s2 =	smov.u32 s9;
	[tilespmem:s0+$0x16C70] =	vst v5;
	v1 =	vadd.f32 v4, v1;
	v4 =	vld [tilespmem:s22+$0xE440]  }
0x165: {  	s0 =	smov.u32 s11;
	v5 =	vld [tilespmem:s25+$0xE000];
	v0 =	vadd.f32 v0, v3  }
0x166: {  	v3 =	vld [tilespmem:s23+$0x800];
	[tilespmem:s22+$0x17430] =	vst v1  }
0x167: {  	v1 =	vadd.f32 v6, v2;
	v2 =	vld [tilespmem:s21+$0xC40];
	[tilespmem:s20+$0x17870] =	vst v0  }
0x168: {  	v0 =	vld [tilespmem:s19+$0x1400]  }
0x169: {  	[tilespmem:s0+$0x16840] =	vst v1;
	v1 =	vld [tilespmem:s0+$0xD850]  }
0x16a: {  	v6 =	vld [tilespmem:s30+$0x50]  }
0x16b: {  	v3 =	vadd.f32 v3, v5;
	v5 =	vld [tilespmem:s20+$0xEC10]  }
0x16c: {  	v2 =	vadd.f32 v2, v4;
	v4 =	vld [tilespmem:s22+$0xE450]  }
0x16d: {  	[tilespmem:s25+$0x17000] =	vst v3;
	v3 =	vld [tilespmem:s25+$0xE010];
	v0 =	vadd.f32 v0, v7  }
0x16e: {  	v7 =	vld [tilespmem:s23+$0x810];
	[tilespmem:s22+$0x17440] =	vst v2  }
0x16f: {  	v1 =	vadd.f32 v6, v1;
	v2 =	vld [tilespmem:s21+$0xC50];
	[tilespmem:s20+$0x17C00] =	vst v0  }
0x170: {  	v0 =	vld [tilespmem:s19+$0x1410]  }
0x171: {  	[tilespmem:s0+$0x16850] =	vst v1;
	v1 =	vld [tilespmem:s0+$0xD860]  }
0x172: {  	v6 =	vld [tilespmem:s30+$0x60]  }
0x173: {  	v3 =	vadd.f32 v7, v3;
	v7 =	vld [tilespmem:s20+$0xEC20]  }
0x174: {  	v2 =	vadd.f32 v2, v4;
	v4 =	vld [tilespmem:s22+$0xE460]  }
0x175: {  	[tilespmem:s25+$0x17010] =	vst v3;
	v3 =	vld [tilespmem:s25+$0xE020];
	v0 =	vadd.f32 v0, v5  }
0x176: {  	v5 =	vld [tilespmem:s23+$0x820];
	[tilespmem:s22+$0x17450] =	vst v2  }
0x177: {  	v1 =	vadd.f32 v6, v1;
	v2 =	vld [tilespmem:s21+$0xC60];
	[tilespmem:s20+$0x17C10] =	vst v0  }
0x178: {  	v0 =	vld [tilespmem:s19+$0x1420]  }
0x179: {  	[tilespmem:s0+$0x16860] =	vst v1;
	v1 =	vld [tilespmem:s0+$0xD870]  }
0x17a: {  	v6 =	vld [tilespmem:s30+$0x70]  }
0x17b: {  	v3 =	vadd.f32 v5, v3;
	v5 =	vld [tilespmem:s20+$0xEC30]  }
0x17c: {  	v2 =	vadd.f32 v2, v4;
	v4 =	vld [tilespmem:s22+$0xE470]  }
0x17d: {  	[tilespmem:s25+$0x17020] =	vst v3;
	v3 =	vld [tilespmem:s25+$0xE030];
	v0 =	vadd.f32 v0, v7  }
0x17e: {  	v7 =	vld [tilespmem:s23+$0x830];
	[tilespmem:s22+$0x17460] =	vst v2  }
0x17f: {  	v1 =	vadd.f32 v6, v1;
	v2 =	vld [tilespmem:s21+$0xC70];
	[tilespmem:s20+$0x17C20] =	vst v0  }
0x180: {  	v0 =	vld [tilespmem:s19+$0x1430]  }
0x181: {  	[tilespmem:s0+$0x16870] =	vst v1;
	v1 =	vld [tilespmem:s0+$0xDC00]  }
0x182: {  	v6 =	vld [tilespmem:s30+$0x400]  }
0x183: {  	v3 =	vadd.f32 v7, v3;
	v7 =	vld [tilespmem:s20+$0xEC40]  }
0x184: {  	v2 =	vadd.f32 v2, v4;
	v4 =	vld [tilespmem:s22+$0xE800]  }
0x185: {  	[tilespmem:s25+$0x17030] =	vst v3;
	v3 =	vld [tilespmem:s25+$0xE040];
	v0 =	vadd.f32 v0, v5  }
0x186: {  	v5 =	vld [tilespmem:s23+$0x840];
	[tilespmem:s22+$0x17470] =	vst v2  }
0x187: {  	v1 =	vadd.f32 v6, v1;
	v2 =	vld [tilespmem:s21+$0x1000];
	[tilespmem:s20+$0x17C30] =	vst v0  }
0x188: {  	v0 =	vld [tilespmem:s19+$0x1440]  }
0x189: {  	[tilespmem:s0+$0x16C00] =	vst v1;
	v1 =	vld [tilespmem:s0+$0xDC10]  }
0x18a: {  	v6 =	vld [tilespmem:s30+$0x410]  }
0x18b: {  	v3 =	vadd.f32 v5, v3;
	v5 =	vld [tilespmem:s20+$0xEC50]  }
0x18c: {  	v2 =	vadd.f32 v2, v4;
	v4 =	vld [tilespmem:s22+$0xE810]  }
0x18d: {  	[tilespmem:s25+$0x17040] =	vst v3;
	v3 =	vld [tilespmem:s25+$0xE050];
	v0 =	vadd.f32 v0, v7  }
0x18e: {  	v7 =	vld [tilespmem:s23+$0x850];
	[tilespmem:s22+$0x17800] =	vst v2  }
0x18f: {  	v1 =	vadd.f32 v6, v1;
	v2 =	vld [tilespmem:s21+$0x1010];
	[tilespmem:s20+$0x17C40] =	vst v0  }
0x190: {  	v0 =	vld [tilespmem:s19+$0x1450]  }
0x191: {  	[tilespmem:s0+$0x16C10] =	vst v1;
	v1 =	vld [tilespmem:s0+$0xDC20]  }
0x192: {  	v6 =	vld [tilespmem:s30+$0x420]  }
0x193: {  	v3 =	vadd.f32 v7, v3;
	v7 =	vld [tilespmem:s20+$0xEC60]  }
0x194: {  	v2 =	vadd.f32 v2, v4;
	v4 =	vld [tilespmem:s22+$0xE820]  }
0x195: {  	[tilespmem:s25+$0x17050] =	vst v3;
	v3 =	vld [tilespmem:s25+$0xE060];
	v0 =	vadd.f32 v0, v5  }
0x196: {  	v5 =	vld [tilespmem:s23+$0x860];
	[tilespmem:s22+$0x17810] =	vst v2  }
0x197: {  	v1 =	vadd.f32 v6, v1;
	v2 =	vld [tilespmem:s21+$0x1020];
	[tilespmem:s20+$0x17C50] =	vst v0  }
0x198: {  	v6 =	vld [tilespmem:s19+$0x1460]  }
0x199: {  	[tilespmem:s0+$0x16C20] =	vst v1;
	v8 =	vld [tilespmem:s0+$0xDC30]  }
0x19a: {  	v9 =	vld [tilespmem:s30+$0x430]  }
0x19b: {  	s8 =	sshrl.u32 s7, $0x3;
	s9 =	sadd.s32 s7, s24;
	v1 =	vadd.f32 v5, v3;
	v0 =	vld [tilespmem:s20+$0xEC70]  }
0x19c: {  	s8 =	smul.u32 $0x1800, s8;
	s9 =	sshrl.u32 s9, $0x3;
	v3 =	vadd.f32 v2, v4;
	v2 =	vld [tilespmem:s22+$0xE830]  }
0x19d: {  	s12 =	smul.u32 $0x6000, s9;
	[tilespmem:s25+$0x17060] =	vst v1;
	v4 =	vld [tilespmem:s25+$0xE070];
	v1 =	vadd.f32 v6, v7  }
.Ltmp0:
0x19e: {  	s10 =	sadd.s32 $0x80, s10;
	v5 =	vld [tilespmem:s23+$0x870];
	[tilespmem:s22+$0x17820] =	vst v3;
	(pc) =	sbr.rel @p0 .LBB2_3-.Ltmp0, $4  }
0x19f: {  	s9 =	sand.u32 $0x380, s10;
	s8 =	sadd.s32 s26, s8;
	v3 =	vld [tilespmem:s21+$0x1030];
	[tilespmem:s20+$0x17C60] =	vst v1  }
0x1a0: {  	s12 =	sshra.s32 s12, $0x2;
	s11 =	sor.u32 s9, s8;
	v1 =	vld [tilespmem:s19+$0x1470];
	s19 =	smov.u32 s21  }
0x1a1: {  	v6 =	vadd.f32 v9, v8;
	s21 =	smov.u32 s23;
	s23 =	smov.u32 s30;
	s30 =	sor.u32 s9, s12;
	v7 =	vld [tilespmem:s11+$0xD800]  }
0x1a2: {  	s7 =	sadd.s32 $0x1, s7;
	v8 =	vld [tilespmem:s30+$0x0]  }
0x1a3: {  	_ =	sdelay $0x3  }
0x1a4: {  	v7 =	vadd.f32 v8, v7;
	_ =	sdelay $0x1  }
0x1a5: {  	v21 =	vld [tilespmem:s11+$0xD810];
	[tilespmem:s11+$0x16800] =	vst v7  }
0x1a6: {  	v22 =	vld [tilespmem:s30+$0x10];
	_ =	sdelay $0x4  }
0x1a7: {  	v7 =	vadd.f32 v22, v21;
	_ =	sdelay $0x1  }
0x1a8: {  	v23 =	vld [tilespmem:s11+$0xD820];
	[tilespmem:s11+$0x16810] =	vst v7  }
0x1a9: {  	v24 =	vld [tilespmem:s30+$0x20];
	_ =	sdelay $0x4  }
0x1aa: {  	v7 =	vadd.f32 v24, v23;
	_ =	sdelay $0x1  }
0x1ab: {  	v25 =	vld [tilespmem:s11+$0xD830];
	[tilespmem:s11+$0x16820] =	vst v7  }
0x1ac: {  	v26 =	vld [tilespmem:s30+$0x30];
	_ =	sdelay $0x4  }
0x1ad: {  	v7 =	vadd.f32 v26, v25;
	_ =	sdelay $0x1  }
0x1ae: {  	v27 =	vld [tilespmem:s11+$0xD840];
	[tilespmem:s11+$0x16830] =	vst v7  }
0x1af: {  	v28 =	vld [tilespmem:s30+$0x40];
	_ =	sdelay $0x4  }
0x1b0: {  	v7 =	vadd.f32 v28, v27;
	_ =	sdelay $0x1  }
0x1b1: {  	v29 =	vld [tilespmem:s11+$0xD850];
	[tilespmem:s11+$0x16840] =	vst v7  }
0x1b2: {  	v30 =	vld [tilespmem:s30+$0x50];
	_ =	sdelay $0x4  }
0x1b3: {  	v7 =	vadd.f32 v30, v29;
	_ =	sdelay $0x1  }
0x1b4: {  	v31 =	vld [tilespmem:s11+$0xD860];
	[tilespmem:s11+$0x16850] =	vst v7  }
0x1b5: {  	v32 =	vld [tilespmem:s30+$0x60];
	_ =	sdelay $0x4  }
0x1b6: {  	v7 =	vadd.f32 v32, v31;
	_ =	sdelay $0x1  }
0x1b7: {  	v33 =	vld [tilespmem:s11+$0xD870];
	[tilespmem:s11+$0x16860] =	vst v7  }
0x1b8: {  	v34 =	vld [tilespmem:s30+$0x70];
	_ =	sdelay $0x4  }
0x1b9: {  	v7 =	vadd.f32 v34, v33;
	_ =	sdelay $0x1  }
0x1ba: {  	v35 =	vld [tilespmem:s11+$0xDC00];
	[tilespmem:s11+$0x16870] =	vst v7  }
0x1bb: {  	v36 =	vld [tilespmem:s30+$0x400];
	_ =	sdelay $0x4  }
0x1bc: {  	v7 =	vadd.f32 v36, v35;
	_ =	sdelay $0x1  }
0x1bd: {  	v37 =	vld [tilespmem:s11+$0xDC10];
	[tilespmem:s11+$0x16C00] =	vst v7  }
0x1be: {  	v38 =	vld [tilespmem:s30+$0x410];
	_ =	sdelay $0x4  }
0x1bf: {  	v7 =	vadd.f32 v38, v37;
	_ =	sdelay $0x1  }
0x1c0: {  	v39 =	vld [tilespmem:s11+$0xDC20];
	[tilespmem:s11+$0x16C10] =	vst v7  }
0x1c1: {  	v40 =	vld [tilespmem:s30+$0x420];
	_ =	sdelay $0x4  }
0x1c2: {  	v7 =	vadd.f32 v40, v39;
	_ =	sdelay $0x1  }
0x1c3: {  	v41 =	vld [tilespmem:s11+$0xDC30];
	[tilespmem:s11+$0x16C20] =	vst v7  }
0x1c4: {  	v42 =	vld [tilespmem:s30+$0x430];
	_ =	sdelay $0x4  }
0x1c5: {  	[tilespmem:s0+$0x16C30] =	vst v6;
	v44 =	vld [tilespmem:s0+$0xDC40];
	v43 =	vadd.f32 v42, v41  }
0x1c6: {  	v45 =	vld [tilespmem:s23+$0x440]  }
0x1c7: {  	v46 =	vld [tilespmem:s11+$0xDC40];
	[tilespmem:s11+$0x16C30] =	vst v43  }
0x1c8: {  	v9 =	vld [tilespmem:s30+$0x440];
	_ =	sdelay $0x2  }
0x1c9: {  	v7 =	vadd.f32 v45, v44;
	_ =	sdelay $0x1  }
0x1ca: {  	v47 =	vld [tilespmem:s0+$0xDC50];
	[tilespmem:s0+$0x16C40] =	vst v7;
	v6 =	vadd.f32 v9, v46  }
0x1cb: {  	v48 =	vld [tilespmem:s23+$0x450]  }
0x1cc: {  	v49 =	vld [tilespmem:s11+$0xDC50];
	[tilespmem:s11+$0x16C40] =	vst v6  }
0x1cd: {  	v50 =	vld [tilespmem:s30+$0x450];
	_ =	sdelay $0x2  }
0x1ce: {  	v7 =	vadd.f32 v48, v47;
	_ =	sdelay $0x1  }
0x1cf: {  	v51 =	vld [tilespmem:s0+$0xDC60];
	[tilespmem:s0+$0x16C50] =	vst v7;
	v6 =	vadd.f32 v50, v49  }
0x1d0: {  	v52 =	vld [tilespmem:s23+$0x460]  }
0x1d1: {  	v53 =	vld [tilespmem:s11+$0xDC60];
	[tilespmem:s11+$0x16C50] =	vst v6  }
0x1d2: {  	v54 =	vld [tilespmem:s30+$0x460];
	_ =	sdelay $0x2  }
0x1d3: {  	v7 =	vadd.f32 v52, v51;
	_ =	sdelay $0x1  }
0x1d4: {  	v55 =	vld [tilespmem:s0+$0xDC70];
	[tilespmem:s0+$0x16C60] =	vst v7;
	v6 =	vadd.f32 v54, v53  }
0x1d5: {  	v56 =	vld [tilespmem:s23+$0x470]  }
0x1d6: {  	v57 =	vld [tilespmem:s11+$0xDC70];
	[tilespmem:s11+$0x16C60] =	vst v6  }
0x1d7: {  	v58 =	vld [tilespmem:s30+$0x470];
	_ =	sdelay $0x2  }
0x1d8: {  	v7 =	vadd.f32 v56, v55;
	_ =	sdelay $0x1  }
0x1d9: {  	s12 =	sadd.s32 s2, s31;
	[tilespmem:s0+$0x16C70] =	vst v7;
	v6 =	vadd.f32 v58, v57  }
0x1da: {  	v7 =	vld [tilespmem:s12+$0xE000]  }
0x1db: {  	s24 =	sadd.s32 s9, s8;
	v59 =	vld [tilespmem:s23+$0x800];
	[tilespmem:s11+$0x16C70] =	vst v6  }
0x1dc: {  	v6 =	vld [tilespmem:s24+$0xE000]  }
0x1dd: {  	v60 =	vld [tilespmem:s30+$0x800];
	_ =	sdelay $0x2  }
0x1de: {  	v7 =	vadd.f32 v59, v7;
	_ =	sdelay $0x1  }
0x1df: {  	v61 =	vld [tilespmem:s12+$0xE010];
	[tilespmem:s12+$0x17000] =	vst v7;
	v6 =	vadd.f32 v60, v6  }
0x1e0: {  	v62 =	vld [tilespmem:s23+$0x810]  }
0x1e1: {  	v63 =	vld [tilespmem:s24+$0xE010];
	[tilespmem:s24+$0x17000] =	vst v6  }
0x1e2: {  	v12 =	vld [tilespmem:s30+$0x810];
	_ =	sdelay $0x3  }
0x1e3: {  	v7 =	vadd.f32 v62, v61  }
0x1e4: {  	v13 =	vld [tilespmem:s12+$0xE020];
	v6 =	vadd.f32 v12, v63  }
0x1e5: {  	v15 =	vld [tilespmem:s24+$0xE020];
	[tilespmem:s12+$0x17010] =	vst v7  }
0x1e6: {  	v14 =	vld [tilespmem:s23+$0x820];
	[tilespmem:s24+$0x17010] =	vst v6  }
0x1e7: {  	v16 =	vld [tilespmem:s30+$0x820];
	_ =	sdelay $0x3  }
0x1e8: {  	v7 =	vadd.f32 v14, v13  }
0x1e9: {  	v17 =	vld [tilespmem:s12+$0xE030];
	v6 =	vadd.f32 v16, v15  }
0x1ea: {  	v19 =	vld [tilespmem:s24+$0xE030];
	[tilespmem:s12+$0x17020] =	vst v7  }
0x1eb: {  	v18 =	vld [tilespmem:s23+$0x830];
	[tilespmem:s24+$0x17020] =	vst v6  }
0x1ec: {  	v20 =	vld [tilespmem:s30+$0x830];
	_ =	sdelay $0x3  }
0x1ed: {  	v7 =	vadd.f32 v18, v17  }
0x1ee: {  	v21 =	vld [tilespmem:s12+$0xE040];
	v6 =	vadd.f32 v20, v19  }
0x1ef: {  	v23 =	vld [tilespmem:s24+$0xE040];
	[tilespmem:s12+$0x17030] =	vst v7  }
0x1f0: {  	v22 =	vld [tilespmem:s23+$0x840];
	[tilespmem:s24+$0x17030] =	vst v6  }
0x1f1: {  	v24 =	vld [tilespmem:s30+$0x840];
	_ =	sdelay $0x3  }
0x1f2: {  	v7 =	vadd.f32 v22, v21  }
0x1f3: {  	v25 =	vld [tilespmem:s12+$0xE050];
	v6 =	vadd.f32 v24, v23  }
0x1f4: {  	v27 =	vld [tilespmem:s24+$0xE050];
	[tilespmem:s12+$0x17040] =	vst v7  }
0x1f5: {  	v26 =	vld [tilespmem:s23+$0x850];
	[tilespmem:s24+$0x17040] =	vst v6  }
0x1f6: {  	v28 =	vld [tilespmem:s30+$0x850];
	_ =	sdelay $0x3  }
0x1f7: {  	v7 =	vadd.f32 v26, v25  }
0x1f8: {  	v29 =	vld [tilespmem:s12+$0xE060];
	v6 =	vadd.f32 v28, v27  }
0x1f9: {  	v31 =	vld [tilespmem:s24+$0xE060];
	[tilespmem:s12+$0x17050] =	vst v7  }
0x1fa: {  	v30 =	vld [tilespmem:s23+$0x860];
	[tilespmem:s24+$0x17050] =	vst v6  }
0x1fb: {  	v32 =	vld [tilespmem:s30+$0x860];
	_ =	sdelay $0x3  }
0x1fc: {  	v33 =	vadd.f32 v30, v29  }
0x1fd: {  	v35 =	vld [tilespmem:s12+$0xE070];
	v6 =	vadd.f32 v32, v31  }
0x1fe: {  	v37 =	vld [tilespmem:s24+$0xE070];
	[tilespmem:s12+$0x17060] =	vst v33  }
0x1ff: {  	v36 =	vld [tilespmem:s23+$0x870];
	[tilespmem:s24+$0x17060] =	vst v6  }
0x200: {  	v38 =	vld [tilespmem:s30+$0x870]  }
0x201: {  	v4 =	vadd.f32 v5, v4;
	_ =	sdelay $0x1  }
0x202: {  	[tilespmem:s25+$0x17070] =	vst v4;
	v34 =	vld [tilespmem:s25+$0xE400]  }
0x203: {  	v39 =	vld [tilespmem:s21+$0xC00];
	v4 =	vadd.f32 v36, v35  }
0x204: {  	v40 =	vld [tilespmem:s12+$0xE400];
	v6 =	vadd.f32 v38, v37  }
0x205: {  	v42 =	vld [tilespmem:s24+$0xE400];
	[tilespmem:s12+$0x17070] =	vst v4  }
0x206: {  	v41 =	vld [tilespmem:s23+$0xC00];
	[tilespmem:s24+$0x17070] =	vst v6  }
0x207: {  	v43 =	vld [tilespmem:s30+$0xC00]  }
0x208: {  	v5 =	vadd.f32 v39, v34;
	_ =	sdelay $0x1  }
0x209: {  	v44 =	vld [tilespmem:s25+$0xE410];
	[tilespmem:s25+$0x17400] =	vst v5  }
0x20a: {  	v45 =	vld [tilespmem:s21+$0xC10];
	v4 =	vadd.f32 v41, v40  }
0x20b: {  	v46 =	vld [tilespmem:s12+$0xE410];
	v5 =	vadd.f32 v43, v42  }
0x20c: {  	v49 =	vld [tilespmem:s24+$0xE410];
	[tilespmem:s12+$0x17400] =	vst v4  }
0x20d: {  	v47 =	vld [tilespmem:s23+$0xC10];
	[tilespmem:s24+$0x17400] =	vst v5  }
0x20e: {  	v50 =	vld [tilespmem:s30+$0xC10]  }
0x20f: {  	v48 =	vadd.f32 v45, v44;
	_ =	sdelay $0x1  }
0x210: {  	[tilespmem:s25+$0x17410] =	vst v48;
	v51 =	vld [tilespmem:s25+$0xE420]  }
0x211: {  	v52 =	vld [tilespmem:s21+$0xC20];
	v4 =	vadd.f32 v47, v46  }
0x212: {  	v53 =	vld [tilespmem:s12+$0xE420];
	v5 =	vadd.f32 v50, v49  }
0x213: {  	v55 =	vld [tilespmem:s24+$0xE420];
	[tilespmem:s12+$0x17410] =	vst v4  }
0x214: {  	v54 =	vld [tilespmem:s23+$0xC20];
	[tilespmem:s24+$0x17410] =	vst v5  }
0x215: {  	v56 =	vld [tilespmem:s30+$0xC20];
	_ =	sdelay $0x2  }
0x216: {  	v59 =	vld [tilespmem:s12+$0xE430];
	v7 =	vadd.f32 v52, v51  }
0x217: {  	v57 =	vld [tilespmem:s25+$0xE430];
	v4 =	vadd.f32 v54, v53  }
0x218: {  	v61 =	vld [tilespmem:s24+$0xE430];
	[tilespmem:s25+$0x17420] =	vst v7;
	v5 =	vadd.f32 v56, v55  }
0x219: {  	v58 =	vld [tilespmem:s21+$0xC30];
	[tilespmem:s12+$0x17420] =	vst v4  }
0x21a: {  	v60 =	vld [tilespmem:s23+$0xC30];
	[tilespmem:s24+$0x17420] =	vst v5  }
0x21b: {  	v62 =	vld [tilespmem:s30+$0xC30];
	_ =	sdelay $0x2  }
0x21c: {  	v63 =	vld [tilespmem:s25+$0xE440];
	v6 =	vadd.f32 v58, v57  }
0x21d: {  	v12 =	vld [tilespmem:s12+$0xE440];
	v4 =	vadd.f32 v60, v59  }
0x21e: {  	v15 =	vld [tilespmem:s24+$0xE440];
	[tilespmem:s25+$0x17430] =	vst v6;
	v13 =	vadd.f32 v62, v61  }
0x21f: {  	v6 =	vld [tilespmem:s21+$0xC40];
	[tilespmem:s12+$0x17430] =	vst v4  }
0x220: {  	v14 =	vld [tilespmem:s23+$0xC40];
	[tilespmem:s24+$0x17430] =	vst v13  }
0x221: {  	v4 =	vld [tilespmem:s30+$0xC40];
	_ =	sdelay $0x2  }
0x222: {  	v17 =	vld [tilespmem:s12+$0xE450];
	v6 =	vadd.f32 v6, v63  }
0x223: {  	v18 =	vld [tilespmem:s24+$0xE450];
	v5 =	vadd.f32 v14, v12  }
0x224: {  	v16 =	vld [tilespmem:s25+$0xE450];
	[tilespmem:s25+$0x17440] =	vst v6;
	v4 =	vadd.f32 v4, v15  }
0x225: {  	v6 =	vld [tilespmem:s21+$0xC50];
	[tilespmem:s12+$0x17440] =	vst v5  }
0x226: {  	v5 =	vld [tilespmem:s23+$0xC50];
	[tilespmem:s24+$0x17440] =	vst v4  }
0x227: {  	v4 =	vld [tilespmem:s30+$0xC50];
	_ =	sdelay $0x2  }
0x228: {  	v21 =	vld [tilespmem:s24+$0xE460];
	v6 =	vadd.f32 v6, v16  }
0x229: {  	v19 =	vld [tilespmem:s25+$0xE460];
	v5 =	vadd.f32 v5, v17  }
0x22a: {  	v20 =	vld [tilespmem:s12+$0xE460];
	[tilespmem:s25+$0x17450] =	vst v6;
	v4 =	vadd.f32 v4, v18  }
0x22b: {  	v6 =	vld [tilespmem:s21+$0xC60];
	[tilespmem:s12+$0x17450] =	vst v5  }
0x22c: {  	v5 =	vld [tilespmem:s23+$0xC60];
	[tilespmem:s24+$0x17450] =	vst v4  }
0x22d: {  	v4 =	vld [tilespmem:s30+$0xC60];
	_ =	sdelay $0x2  }
0x22e: {  	v22 =	vld [tilespmem:s25+$0xE470];
	v6 =	vadd.f32 v6, v19  }
0x22f: {  	v23 =	vld [tilespmem:s12+$0xE470];
	v5 =	vadd.f32 v5, v20  }
0x230: {  	v24 =	vld [tilespmem:s24+$0xE470];
	[tilespmem:s25+$0x17460] =	vst v6;
	v4 =	vadd.f32 v4, v21  }
0x231: {  	v6 =	vld [tilespmem:s21+$0xC70];
	[tilespmem:s12+$0x17460] =	vst v5  }
0x232: {  	v5 =	vld [tilespmem:s23+$0xC70];
	[tilespmem:s24+$0x17460] =	vst v4  }
0x233: {  	v4 =	vld [tilespmem:s30+$0xC70];
	_ =	sdelay $0x2  }
0x234: {  	v25 =	vld [tilespmem:s25+$0xE800];
	v6 =	vadd.f32 v6, v22  }
0x235: {  	v26 =	vld [tilespmem:s12+$0xE800];
	v5 =	vadd.f32 v5, v23  }
0x236: {  	v27 =	vld [tilespmem:s24+$0xE800];
	[tilespmem:s25+$0x17470] =	vst v6;
	v4 =	vadd.f32 v4, v24  }
0x237: {  	v6 =	vld [tilespmem:s21+$0x1000];
	[tilespmem:s12+$0x17470] =	vst v5  }
0x238: {  	v5 =	vld [tilespmem:s23+$0x1000];
	[tilespmem:s24+$0x17470] =	vst v4  }
0x239: {  	v4 =	vld [tilespmem:s30+$0x1000];
	_ =	sdelay $0x2  }
0x23a: {  	v29 =	vld [tilespmem:s12+$0xE810];
	v6 =	vadd.f32 v6, v25  }
0x23b: {  	v30 =	vld [tilespmem:s24+$0xE810];
	v5 =	vadd.f32 v5, v26  }
0x23c: {  	v28 =	vld [tilespmem:s25+$0xE810];
	[tilespmem:s25+$0x17800] =	vst v6;
	v4 =	vadd.f32 v4, v27  }
0x23d: {  	v6 =	vld [tilespmem:s21+$0x1010];
	[tilespmem:s12+$0x17800] =	vst v5  }
0x23e: {  	v5 =	vld [tilespmem:s23+$0x1010];
	[tilespmem:s24+$0x17800] =	vst v4  }
0x23f: {  	v4 =	vld [tilespmem:s30+$0x1010];
	_ =	sdelay $0x2  }
0x240: {  	v33 =	vld [tilespmem:s24+$0xE820];
	v6 =	vadd.f32 v6, v28  }
0x241: {  	v31 =	vld [tilespmem:s25+$0xE820];
	v5 =	vadd.f32 v5, v29  }
0x242: {  	v32 =	vld [tilespmem:s12+$0xE820];
	[tilespmem:s25+$0x17810] =	vst v6;
	v4 =	vadd.f32 v4, v30  }
0x243: {  	v6 =	vld [tilespmem:s21+$0x1020];
	[tilespmem:s12+$0x17810] =	vst v5  }
0x244: {  	v5 =	vld [tilespmem:s23+$0x1020];
	[tilespmem:s24+$0x17810] =	vst v4  }
0x245: {  	v4 =	vld [tilespmem:s30+$0x1020];
	_ =	sdelay $0x1  }
0x246: {  	v2 =	vadd.f32 v3, v2;
	v34 =	vld [tilespmem:s25+$0xE830]  }
0x247: {  	v35 =	vld [tilespmem:s12+$0xE830];
	v6 =	vadd.f32 v6, v31  }
0x248: {  	[tilespmem:s22+$0x17830] =	vst v2;
	v36 =	vld [tilespmem:s24+$0xE830];
	v5 =	vadd.f32 v5, v32  }
0x249: {  	v40 =	vld [tilespmem:s19+$0x1040];
	[tilespmem:s25+$0x17820] =	vst v6;
	v4 =	vadd.f32 v4, v33  }
0x24a: {  	v6 =	vld [tilespmem:s21+$0x1030];
	[tilespmem:s12+$0x17820] =	vst v5  }
0x24b: {  	v5 =	vld [tilespmem:s23+$0x1030];
	[tilespmem:s24+$0x17820] =	vst v4  }
0x24c: {  	v37 =	vld [tilespmem:s30+$0x1030]  }
0x24d: {  	v38 =	vld [tilespmem:s22+$0xE840]  }
0x24e: {  	v39 =	vld [tilespmem:s25+$0xE840]  }
0x24f: {  	v45 =	vld [tilespmem:s22+$0xE850];
	v6 =	vadd.f32 v6, v34  }
0x250: {  	v41 =	vld [tilespmem:s12+$0xE840];
	v5 =	vadd.f32 v5, v35  }
0x251: {  	v42 =	vld [tilespmem:s24+$0xE840];
	[tilespmem:s25+$0x17830] =	vst v6;
	v3 =	vadd.f32 v37, v36  }
0x252: {  	v43 =	vadd.f32 v40, v38;
	v6 =	vld [tilespmem:s21+$0x1040];
	[tilespmem:s12+$0x17830] =	vst v5  }
0x253: {  	v5 =	vld [tilespmem:s23+$0x1040];
	[tilespmem:s24+$0x17830] =	vst v3  }
0x254: {  	[tilespmem:s22+$0x17840] =	vst v43;
	v44 =	vld [tilespmem:s30+$0x1040]  }
0x255: {  	v47 =	vld [tilespmem:s19+$0x1050];
	_ =	sdelay $0x1  }
0x256: {  	v46 =	vld [tilespmem:s25+$0xE850];
	v2 =	vadd.f32 v6, v39  }
0x257: {  	v53 =	vld [tilespmem:s24+$0xE850];
	v48 =	vadd.f32 v5, v41  }
0x258: {  	v50 =	vld [tilespmem:s12+$0xE850];
	[tilespmem:s25+$0x17840] =	vst v2;
	v51 =	vadd.f32 v44, v42  }
0x259: {  	v54 =	vadd.f32 v47, v45;
	v49 =	vld [tilespmem:s21+$0x1050];
	[tilespmem:s12+$0x17840] =	vst v48  }
0x25a: {  	v52 =	vld [tilespmem:s23+$0x1050];
	[tilespmem:s24+$0x17840] =	vst v51  }
0x25b: {  	[tilespmem:s22+$0x17850] =	vst v54;
	v55 =	vld [tilespmem:s30+$0x1050]  }
0x25c: {  	v58 =	vld [tilespmem:s19+$0x1060]  }
0x25d: {  	v56 =	vld [tilespmem:s22+$0xE860]  }
0x25e: {  	v57 =	vld [tilespmem:s25+$0xE860];
	v3 =	vadd.f32 v49, v46  }
0x25f: {  	v12 =	vld [tilespmem:s24+$0xE860];
	v59 =	vadd.f32 v52, v50  }
0x260: {  	v61 =	vld [tilespmem:s12+$0xE860];
	[tilespmem:s25+$0x17850] =	vst v3;
	v62 =	vadd.f32 v55, v53  }
0x261: {  	[tilespmem:s12+$0x17850] =	vst v59;
	v60 =	vld [tilespmem:s21+$0x1060]  }
0x262: {  	v13 =	vadd.f32 v58, v56;
	v63 =	vld [tilespmem:s23+$0x1060];
	[tilespmem:s24+$0x17850] =	vst v62  }
0x263: {  	v14 =	vld [tilespmem:s30+$0x1060]  }
0x264: {  	v16 =	vld [tilespmem:s25+$0xE870];
	[tilespmem:s22+$0x17860] =	vst v13  }
0x265: {  	v17 =	vld [tilespmem:s19+$0x1070]  }
0x266: {  	v15 =	vld [tilespmem:s22+$0xE870];
	v2 =	vadd.f32 v60, v57  }
0x267: {  	v20 =	vld [tilespmem:s12+$0xE870];
	v18 =	vadd.f32 v63, v61  }
0x268: {  	v23 =	vld [tilespmem:s24+$0xE870];
	[tilespmem:s25+$0x17860] =	vst v2;
	v21 =	vadd.f32 v14, v12  }
0x269: {  	[tilespmem:s12+$0x17860] =	vst v18;
	v19 =	vld [tilespmem:s21+$0x1070]  }
0x26a: {  	v22 =	vld [tilespmem:s23+$0x1070];
	[tilespmem:s24+$0x17860] =	vst v21  }
0x26b: {  	v24 =	vadd.f32 v17, v15;
	v25 =	vld [tilespmem:s30+$0x1070]  }
0x26c: {  	v26 =	vld [tilespmem:s22+$0xEC00]  }
0x26d: {  	v31 =	vld [tilespmem:s12+$0xEC00];
	[tilespmem:s22+$0x17870] =	vst v24  }
0x26e: {  	v28 =	vld [tilespmem:s19+$0x1400];
	v3 =	vadd.f32 v19, v16  }
0x26f: {  	v34 =	vld [tilespmem:s24+$0xEC00];
	v29 =	vadd.f32 v22, v20  }
0x270: {  	v27 =	vld [tilespmem:s25+$0xEC00];
	[tilespmem:s25+$0x17870] =	vst v3;
	v32 =	vadd.f32 v25, v23  }
0x271: {  	[tilespmem:s12+$0x17870] =	vst v29;
	v30 =	vld [tilespmem:s21+$0x1400]  }
0x272: {  	v33 =	vld [tilespmem:s23+$0x1400];
	[tilespmem:s24+$0x17870] =	vst v32  }
0x273: {  	v35 =	vadd.f32 v28, v26;
	v36 =	vld [tilespmem:s30+$0x1400]  }
0x274: {  	v38 =	vld [tilespmem:s25+$0xEC10]  }
0x275: {  	v45 =	vld [tilespmem:s24+$0xEC10];
	[tilespmem:s22+$0x17C00] =	vst v35  }
0x276: {  	v39 =	vld [tilespmem:s19+$0x1410];
	v2 =	vadd.f32 v30, v27  }
0x277: {  	v37 =	vld [tilespmem:s22+$0xEC10];
	v40 =	vadd.f32 v33, v31  }
0x278: {  	v42 =	vld [tilespmem:s12+$0xEC10];
	[tilespmem:s25+$0x17C00] =	vst v2;
	v43 =	vadd.f32 v36, v34  }
0x279: {  	[tilespmem:s12+$0x17C00] =	vst v40;
	v41 =	vld [tilespmem:s21+$0x1410]  }
0x27a: {  	v44 =	vld [tilespmem:s23+$0x1410];
	[tilespmem:s24+$0x17C00] =	vst v43  }
0x27b: {  	v47 =	vld [tilespmem:s30+$0x1410]  }
0x27c: {  	v56 =	vld [tilespmem:s24+$0xEC20];
	v46 =	vadd.f32 v39, v37  }
0x27d: {  	v48 =	vld [tilespmem:s22+$0xEC20]  }
0x27e: {  	v49 =	vld [tilespmem:s25+$0xEC20];
	[tilespmem:s22+$0x17C10] =	vst v46;
	v3 =	vadd.f32 v41, v38  }
0x27f: {  	v50 =	vld [tilespmem:s19+$0x1420];
	v51 =	vadd.f32 v44, v42  }
0x280: {  	v53 =	vld [tilespmem:s12+$0xEC20];
	[tilespmem:s25+$0x17C10] =	vst v3;
	v54 =	vadd.f32 v47, v45  }
0x281: {  	[tilespmem:s12+$0x17C10] =	vst v51;
	v52 =	vld [tilespmem:s21+$0x1420]  }
0x282: {  	v55 =	vld [tilespmem:s23+$0x1420];
	[tilespmem:s24+$0x17C10] =	vst v54  }
0x283: {  	v58 =	vld [tilespmem:s30+$0x1420]  }
0x284: {  	v15 =	vld [tilespmem:s24+$0xEC30];
	v57 =	vadd.f32 v50, v48  }
0x285: {  	v59 =	vld [tilespmem:s22+$0xEC30]  }
0x286: {  	v60 =	vld [tilespmem:s25+$0xEC30];
	[tilespmem:s22+$0x17C20] =	vst v57;
	v2 =	vadd.f32 v52, v49  }
0x287: {  	v61 =	vld [tilespmem:s19+$0x1430];
	v62 =	vadd.f32 v55, v53  }
0x288: {  	v12 =	vld [tilespmem:s12+$0xEC30];
	[tilespmem:s25+$0x17C20] =	vst v2;
	v13 =	vadd.f32 v58, v56  }
0x289: {  	[tilespmem:s12+$0x17C20] =	vst v62;
	v63 =	vld [tilespmem:s21+$0x1430]  }
0x28a: {  	v14 =	vld [tilespmem:s23+$0x1430];
	[tilespmem:s24+$0x17C20] =	vst v13  }
0x28b: {  	v17 =	vld [tilespmem:s30+$0x1430]  }
0x28c: {  	v26 =	vld [tilespmem:s24+$0xEC40];
	v16 =	vadd.f32 v61, v59  }
0x28d: {  	v18 =	vld [tilespmem:s22+$0xEC40]  }
0x28e: {  	v19 =	vld [tilespmem:s25+$0xEC40];
	[tilespmem:s22+$0x17C30] =	vst v16;
	v3 =	vadd.f32 v63, v60  }
0x28f: {  	v20 =	vld [tilespmem:s19+$0x1440];
	v21 =	vadd.f32 v14, v12  }
0x290: {  	v23 =	vld [tilespmem:s12+$0xEC40];
	[tilespmem:s25+$0x17C30] =	vst v3;
	v24 =	vadd.f32 v17, v15  }
0x291: {  	[tilespmem:s12+$0x17C30] =	vst v21;
	v22 =	vld [tilespmem:s21+$0x1440]  }
0x292: {  	v25 =	vld [tilespmem:s23+$0x1440];
	[tilespmem:s24+$0x17C30] =	vst v24  }
0x293: {  	v28 =	vld [tilespmem:s30+$0x1440]  }
0x294: {  	v37 =	vld [tilespmem:s24+$0xEC50];
	v27 =	vadd.f32 v20, v18  }
0x295: {  	v29 =	vld [tilespmem:s22+$0xEC50]  }
0x296: {  	v30 =	vld [tilespmem:s25+$0xEC50];
	[tilespmem:s22+$0x17C40] =	vst v27;
	v2 =	vadd.f32 v22, v19  }
0x297: {  	v31 =	vld [tilespmem:s19+$0x1450];
	v32 =	vadd.f32 v25, v23  }
0x298: {  	v34 =	vld [tilespmem:s12+$0xEC50];
	[tilespmem:s25+$0x17C40] =	vst v2;
	v35 =	vadd.f32 v28, v26  }
0x299: {  	[tilespmem:s12+$0x17C40] =	vst v32;
	v33 =	vld [tilespmem:s21+$0x1450]  }
0x29a: {  	v36 =	vld [tilespmem:s23+$0x1450];
	[tilespmem:s24+$0x17C40] =	vst v35  }
0x29b: {  	v39 =	vld [tilespmem:s30+$0x1450]  }
0x29c: {  	v48 =	vld [tilespmem:s24+$0xEC60];
	v38 =	vadd.f32 v31, v29  }
0x29d: {  	v40 =	vld [tilespmem:s22+$0xEC60]  }
0x29e: {  	v41 =	vld [tilespmem:s25+$0xEC60];
	[tilespmem:s22+$0x17C50] =	vst v38;
	v3 =	vadd.f32 v33, v30  }
0x29f: {  	v42 =	vld [tilespmem:s19+$0x1460];
	v43 =	vadd.f32 v36, v34  }
0x2a0: {  	v45 =	vld [tilespmem:s12+$0xEC60];
	[tilespmem:s25+$0x17C50] =	vst v3;
	v46 =	vadd.f32 v39, v37  }
0x2a1: {  	[tilespmem:s12+$0x17C50] =	vst v43;
	v44 =	vld [tilespmem:s21+$0x1460]  }
0x2a2: {  	v47 =	vld [tilespmem:s23+$0x1460];
	[tilespmem:s24+$0x17C50] =	vst v46  }
0x2a3: {  	v50 =	vld [tilespmem:s30+$0x1460]  }
0x2a4: {  	v59 =	vld [tilespmem:s24+$0xEC70];
	v49 =	vadd.f32 v42, v40  }
0x2a5: {  	v51 =	vld [tilespmem:s22+$0xEC70]  }
0x2a6: {  	v52 =	vld [tilespmem:s25+$0xEC70];
	[tilespmem:s22+$0x17C60] =	vst v49;
	v2 =	vadd.f32 v44, v41  }
0x2a7: {  	v53 =	vld [tilespmem:s19+$0x1470];
	v54 =	vadd.f32 v47, v45  }
0x2a8: {  	v56 =	vld [tilespmem:s12+$0xEC70];
	[tilespmem:s25+$0x17C60] =	vst v2;
	v57 =	vadd.f32 v50, v48  }
0x2a9: {  	[tilespmem:s12+$0x17C60] =	vst v54;
	v55 =	vld [tilespmem:s21+$0x1470]  }
0x2aa: {  	v58 =	vld [tilespmem:s23+$0x1470];
	[tilespmem:s24+$0x17C60] =	vst v57  }
0x2ab: {  	v2 =	vld [tilespmem:s30+$0x1470]  }
0x2ac: {  	s7 =	smul.u32 $0x6C000, s28;
	v0 =	vadd.f32 v1, v0  }
0x2ad: {  	s26 =	sshrl.u32 s29, $0x3;
	s28 =	smul.u32 $0x12000, s18;
	v60 =	vadd.f32 v53, v51  }
0x2ae: {  	p0 =	sne.s32 s17, $0x30;
	s8 =	smul.u32 $0x1800, s26;
	[tilespmem:s20+$0x17C70] =	vst v0;
	v61 =	vadd.f32 v55, v52  }
.Ltmp1:
0x2af: {  	[tilespmem:s22+$0x17C70] =	vst v60;
	v62 =	vadd.f32 v58, v56;
	(pc) =	sbr.rel @p0 .LBB2_2-.Ltmp1, $4  }
0x2b0: {  	s31 =	sadd.s32 $0x3, s18;
	s7 =	sadd.s32 s7, s8;
	[tilespmem:s25+$0x17C70] =	vst v61;
	v63 =	vadd.f32 v2, v59  }
0x2b1: {  	s16 =	sadd.s32 $0x18, s16;
	s29 =	sshrl.u32 s7, $0x3;
	[tilespmem:s12+$0x17C70] =	vst v62;
	s30 =	sshrl.u32 s28, $0x2  }
0x2b2: {  	s15 =	sadd.s32 $0x1, s15;
	s0 =	sadd.s32 s4, s29;
	s7 =	sadd.s32 $0x16800, s30;
	[tilespmem:s24+$0x17C70] =	vst v63  }
0x2b3: {  	[hbm4b:s0+s5] =	stream.linear.scatter [tilespmem:s7], [sflag:s31], $0x4800, $0x38;
	[tilespmem:$0x1F800] =	vst v63  }
0x2b4: {  	s0 =	simm.s32 $0x3  }
0x2b5: {  	_ =	swait.ge [sflag:s0], $0x4800  }
0x2b6: {  	[sflag:s0] =	ssyncset.done $0x0  }
0x2b7: {  	[sflag:s0] =	ssyncadd.s32 $0xFFFFB800  }
0x2b8: {  	_ =	swait.ge [sflag:s13], $0x4800  }
0x2b9: {  	s14 =	sadd.s32 $0x1, s14;
	s31 =	rddreg [dreg:$0x6]  }
0x2ba: {  	p0 =	sne.s32 s14, s31  }
.Ltmp2:
0x2bb: {  	_ = 	snop;
	(pc) =	sbr.rel @p0 .LBB2_1-.Ltmp2, $3  }
0x2bc: {  	_ =	sdelay $0x1  }
0x2bd: {  	[sflag:s13] =	ssyncset.done $0x0  }
0x2be: {  	[sflag:s13] =	ssyncadd.s32 $0xFFFFB800  }
0x2bf: {  	_ =	sfence.sel $0x180000  }
0x2c0: {  	[bflag:$0x0] =	sbarrier.arrive $0xFFFF  }
0x2c1: {  	_ =	strace $0x90000047  }
0x2c2: {  	s0 =	stileid.u32;
	[bflag:$0x2] =	sbarrier.arrive $0xFFFF  }
0x2c3: {  	p0 =	sne.s32 s0, $0x0;
	s0 =	rddreg [dreg:$0x3]  }
0x2c4: {  	s0 =	sadd.s32 @!p0 $0x100000, s0  }
0x2c5: {  	[sflag:s0] =	ssyncadd.tile.s32 @!p0 $0x1;
	_ =	shalt  }
.Lfunc_end2:
_tile_overlayer_lowered:
.L_overlay_start_2:
0x2c6: {  	(tag) =	ssettag $0x2  }
0x2c7: {  	s0 =	rddreg [dreg:$0x0];
	s2 =	stileid.u32  }
0x2c8: {  	s1 =	rddreg [dreg:$0x1];
	p0 =	sne.s32 s2, $0x0  }
0x2c9: {  	s3 =	rddreg [dreg:$0x2];
	[bflag:$0x3] =	sbarrier.arrive $0xFFFF;
	s2 =	simm.s32 @!p0 $0x1C05  }
0x2ca: {  	[timem:s3], [sflag:s2] =	dma.local @!p0 [hbm:s0], s1  }
0x2cb: {  	s0 =	simm.s32 @!p0 $0x5  }
0x2cc: {  	_ =	swait.ge @!p0 [sflag:s0], s1  }
0x2cd: {  	s1 =	ssub.s32 @!p0 $0x0, s1;
	[sflag:s0] =	ssyncset.done @!p0 $0x0  }
0x2ce: {  	[sflag:s0] =	ssyncadd.s32 @!p0 s1  }
0x2cf: {  	[bflag:$0x3] =	sbarrier.arrive $0xFFFF  }
0x2d0: {  	_ =	shalt  }

</sc_bundles>
